<compile_context>
chip_gen: v7x
topology: tpu7x:2x2x1
jax: 0.10.2.dev20260603
libtpu: 0.0.44.dev20260713+nightly
codegen_flags: <defaults>
</compile_context>

<pallas_src>
import functools

import jax
import jax.numpy as jnp
from jax import lax
from jax.experimental import pallas as pl
from jax.experimental.pallas import tpu as pltpu
from jax.experimental.pallas import tpu_sc as plsc

EMB = 64
CHUNK = 320
NBUF = 4
AHEAD = 2


@functools.partial(jax.jit, static_argnames=("B", "D", "C"))
def _gather(idx, table, B, D, C):
    info = plsc.get_sparse_core_info()
    NC, NS = info.num_cores, info.num_subcores
    NW = NC * NS
    V = table.shape[0]
    b_per_w = B // NW
    iters = b_per_w // C
    assert iters % NBUF == 0
    mesh = plsc.VectorSubcoreMesh(core_axis_name="c", subcore_axis_name="s")

    @functools.partial(
        pl.kernel,
        mesh=mesh,
        out_type=jax.ShapeDtypeStruct((B, D), jnp.float32),
        scratch_types=[
            pltpu.VMEM((iters, C), jnp.int32),
            pltpu.VMEM((NBUF, C, D), jnp.float32),
            pltpu.VMEM_SHARED((V, D), jnp.float32),
        ]
        + [pltpu.SemaphoreType.DMA] * (2 * NBUF),
        compiler_params=pltpu.CompilerParams(use_tc_tiling_on_sc=False),
    )
    def k(idx_hbm, table_hbm, out_hbm, idx_v, rows_v, tbl_sh, *sems):
        sem_g = sems[:NBUF]
        sem_s = sems[NBUF:]
        wid = lax.axis_index("s") * NC + lax.axis_index("c")
        base = wid * b_per_w

        @pl.when(lax.axis_index("s") == 0)
        def _():
            pltpu.sync_copy(table_hbm, tbl_sh)

        plsc.subcore_barrier()

        pltpu.sync_copy(idx_hbm.at[wid], idx_v)

        def gather_start(g, b):
            pltpu.async_copy(tbl_sh.at[idx_v.at[g]], rows_v.at[b], sem_g[b])

        def store_start(g, b):
            pltpu.async_copy(
                rows_v.at[b], out_hbm.at[pl.ds(base + g * C, C)], sem_s[b]
            )

        for b in range(AHEAD):
            gather_start(b, b)

        def body(i, carry):
            for b in range(NBUF):
                g = i * NBUF + b
                bn = (b + AHEAD) % NBUF

                @pl.when(g + AHEAD < iters)
                def _():
                    @pl.when(g + AHEAD >= NBUF)
                    def _():
                        pltpu.make_async_copy(
                            rows_v.at[bn],
                            out_hbm.at[pl.ds(base, C)],
                            sem_s[bn],
                        ).wait()

                    gather_start(g + AHEAD, bn)

                pltpu.make_async_copy(
                    tbl_sh.at[idx_v.at[g]], rows_v.at[b], sem_g[b]
                ).wait()
                store_start(g, b)
            return carry

        lax.fori_loop(0, iters // NBUF, body, 0)

        for g in range(iters - AHEAD, iters):
            b = g % NBUF
            pltpu.make_async_copy(
                rows_v.at[b], out_hbm.at[pl.ds(base, C)], sem_s[b]
            ).wait()

    return k(idx, table)


def kernel(indices, emb_table):
    B0, H = indices.shape
    B = B0 * H
    idx = indices.astype(jnp.int32).reshape(32, B // (32 * CHUNK), CHUNK)
    out = _gather(idx, emb_table, B, EMB, CHUNK)
    return out.reshape(B0, H, EMB)

# --- scband reference (transcript-rebuilt; emitter-appended) ---
"""Pipeline reference for scband-previous-state-encoding-11682311045359 (READ-ONLY COPY).

The authoritative reference and input builder live on the scoring server;
editing this copy changes nothing except your own understanding.
"""

import jax, jax.numpy as jnp
import numpy as np

EMB_DIM = 64
MAX_N_STATES = 1000
BATCH = 16384
HIST = 50

def setup_inputs(seed: int = 0) -> dict:
    key = jax.random.key(seed)
    k_idx, k_emb = jax.random.split(key)
    indices = jax.random.randint(k_idx, (BATCH, HIST), 0, MAX_N_STATES, dtype=jnp.int64 if jax.config.read('jax_enable_x64') else jnp.int32)
    emb_table = jax.random.normal(k_emb, (MAX_N_STATES, EMB_DIM), dtype=jnp.float32)
    return {"indices": indices, "emb_table": emb_table}

def reference(indices, emb_table):
    # PreviousStateEncoding: nn.Embedding(max_n_states, emb_dim) lookup
    return jnp.take(emb_table, indices, axis=0)

if __name__ == "__main__":
    import jax
    _d = setup_inputs()
    print(jax.jit(kernel)(*tuple(_d.values())))

</pallas_src>

<mosaic_0001>
#map = affine_map<(d0, d1) -> (0, 0, 0)>
#map1 = affine_map<(d0, d1) -> (0, 0)>
module attributes {stable_mosaic.version = 14 : i64} {
  func.func @k(%arg0: i32, %arg1: i32, %arg2: memref<32x80x320xi32, #tpu.memory_space<hbm>>, %arg3: memref<1000x64xf32, #tpu.memory_space<hbm>>, %arg4: memref<819200x64xf32, #tpu.memory_space<hbm>>, %arg5: memref<80x320xi32, #tpu.memory_space<vmem>>, %arg6: memref<4x320x64xf32, #tpu.memory_space<vmem>>, %arg7: memref<1000x64xf32, #tpu.memory_space<vmem_shared>>, %arg8: memref<!tpu.dma_semaphore, #tpu.memory_space<semaphore_mem>>, %arg9: memref<!tpu.dma_semaphore, #tpu.memory_space<semaphore_mem>>, %arg10: memref<!tpu.dma_semaphore, #tpu.memory_space<semaphore_mem>>, %arg11: memref<!tpu.dma_semaphore, #tpu.memory_space<semaphore_mem>>, %arg12: memref<!tpu.dma_semaphore, #tpu.memory_space<semaphore_mem>>, %arg13: memref<!tpu.dma_semaphore, #tpu.memory_space<semaphore_mem>>, %arg14: memref<!tpu.dma_semaphore, #tpu.memory_space<semaphore_mem>>, %arg15: memref<!tpu.dma_semaphore, #tpu.memory_space<semaphore_mem>>) attributes {dimension_semantics = [#tpu.dimension_semantics<core_parallel>, #tpu.dimension_semantics<subcore_parallel>], iteration_bounds = array<i64: 2, 16>, scalar_prefetch = 0 : i64, scratch_operands = 11 : i64, tpu.core_type = #tpu.core_type<sc_vector_subcore>, window_params = [{transform_indices = #map}, {transform_indices = #map1}, {transform_indices = #map1}]} {
    %mul3A = arith.constant 2 : i32
    %mul3A_0 = arith.muli %arg1, %mul3A : i32
    %add3A = arith.addi %mul3A_0, %arg0 : i32
    %mul3A_1 = arith.constant 25600 : i32
    %mul3A_2 = arith.muli %add3A, %mul3A_1 : i32
    %eq3A = arith.constant 0 : i32
    %eq3A_3 = arith.cmpi eq, %arg1, %eq3A : i32
    %convert_element_type3A = arith.extui %eq3A_3 : i1 to i32
    %cond3A = arith.constant 0 : i32
    %cond3A_4 = arith.cmpi ne, %convert_element_type3A, %cond3A : i32
    scf.if %cond3A_4 {
      "tpu.region"() ({
        %run_scoped3A = tpu.sem_alloc : memref<!tpu.dma_semaphore, #tpu.memory_space<semaphore_mem>>
        tpu.enqueue_dma source(%arg3 : memref<1000x64xf32, #tpu.memory_space<hbm>>) target(%arg7 : memref<1000x64xf32, #tpu.memory_space<vmem_shared>>) target_semaphore(%run_scoped3A : memref<!tpu.dma_semaphore, #tpu.memory_space<semaphore_mem>>)
        tpu.wait_dma2 semaphore(%run_scoped3A : memref<!tpu.dma_semaphore, #tpu.memory_space<semaphore_mem>>) src(%arg3 : memref<1000x64xf32, #tpu.memory_space<hbm>>) dst(%arg7 : memref<1000x64xf32, #tpu.memory_space<vmem_shared>>)
        tpu.yield
      }) : () -> ()
    } else {
    }
    %barrier3A = arith.constant 0 : index
    tpu.barrier barrier_id(%barrier3A)
    "tpu.region"() ({
      %run_scoped3A = tpu.sem_alloc : memref<!tpu.dma_semaphore, #tpu.memory_space<semaphore_mem>>
      %dma_start3A_58 = arith.constant 0 : i32
      %dma_start3A_59 = arith.constant 0 : i32
      %dma_start3A_60 = tpu.memref_slice %arg2[%add3A, %dma_start3A_58, %dma_start3A_59] : memref<32x80x320xi32, #tpu.memory_space<hbm>> -> memref<1x80x320xi32, #tpu.memory_space<hbm>>
      %dma_start3A_61 = tpu.memref_squeeze %dma_start3A_60 : memref<1x80x320xi32, #tpu.memory_space<hbm>> -> memref<80x320xi32, #tpu.memory_space<hbm>>
      %dma_start3A_62 = arith.constant 0 : i32
      %dma_start3A_63 = arith.constant 0 : i32
      %dma_start3A_64 = tpu.memref_slice %arg2[%add3A, %dma_start3A_62, %dma_start3A_63] : memref<32x80x320xi32, #tpu.memory_space<hbm>> -> memref<1x80x320xi32, #tpu.memory_space<hbm>>
      %dma_start3A_65 = tpu.memref_squeeze %dma_start3A_64 : memref<1x80x320xi32, #tpu.memory_space<hbm>> -> memref<80x320xi32, #tpu.memory_space<hbm>>
      tpu.enqueue_dma source(%dma_start3A_65 : memref<80x320xi32, #tpu.memory_space<hbm>>) target(%arg5 : memref<80x320xi32, #tpu.memory_space<vmem>>) target_semaphore(%run_scoped3A : memref<!tpu.dma_semaphore, #tpu.memory_space<semaphore_mem>>)
      %dma_wait3A_66 = arith.constant 0 : i32
      %dma_wait3A_67 = arith.constant 0 : i32
      %dma_wait3A_68 = tpu.memref_slice %arg2[%add3A, %dma_wait3A_66, %dma_wait3A_67] : memref<32x80x320xi32, #tpu.memory_space<hbm>> -> memref<1x80x320xi32, #tpu.memory_space<hbm>>
      %dma_wait3A_69 = tpu.memref_squeeze %dma_wait3A_68 : memref<1x80x320xi32, #tpu.memory_space<hbm>> -> memref<80x320xi32, #tpu.memory_space<hbm>>
      %dma_wait3A_70 = arith.constant 0 : i32
      %dma_wait3A_71 = arith.constant 0 : i32
      %dma_wait3A_72 = tpu.memref_slice %arg2[%add3A, %dma_wait3A_70, %dma_wait3A_71] : memref<32x80x320xi32, #tpu.memory_space<hbm>> -> memref<1x80x320xi32, #tpu.memory_space<hbm>>
      %dma_wait3A_73 = tpu.memref_squeeze %dma_wait3A_72 : memref<1x80x320xi32, #tpu.memory_space<hbm>> -> memref<80x320xi32, #tpu.memory_space<hbm>>
      tpu.wait_dma2 semaphore(%run_scoped3A : memref<!tpu.dma_semaphore, #tpu.memory_space<semaphore_mem>>) src(%dma_wait3A_73 : memref<80x320xi32, #tpu.memory_space<hbm>>) dst(%arg5 : memref<80x320xi32, #tpu.memory_space<vmem>>)
      tpu.yield
    }) : () -> ()
    %dma_start3A = arith.constant 0 : i32
    %dma_start3A_5 = arith.constant 0 : i32
    %dma_start3A_6 = arith.constant 0 : i32
    %dma_start3A_7 = arith.constant 0 : i32
    %dma_start3A_8 = tpu.memref_slice %arg6[%dma_start3A_5, %dma_start3A_6, %dma_start3A_7] : memref<4x320x64xf32, #tpu.memory_space<vmem>> -> memref<1x320x64xf32, #tpu.memory_space<vmem>>
    %dma_start3A_9 = tpu.memref_squeeze %dma_start3A_8 : memref<1x320x64xf32, #tpu.memory_space<vmem>> -> memref<320x64xf32, #tpu.memory_space<vmem>>
    %dma_start3A_10 = arith.constant 0 : i32
    %dma_start3A_11 = tpu.memref_slice %arg5[%dma_start3A, %dma_start3A_10] : memref<80x320xi32, #tpu.memory_space<vmem>> -> memref<1x320xi32, #tpu.memory_space<vmem>>
    %dma_start3A_12 = tpu.memref_squeeze %dma_start3A_11 : memref<1x320xi32, #tpu.memory_space<vmem>> -> memref<320xi32, #tpu.memory_space<vmem>>
    %dma_start3A_13 = arith.constant 0 : i32
    %dma_start3A_14 = arith.constant 0 : i32
    %dma_start3A_15 = tpu.memref_slice %arg7[%dma_start3A_13, %dma_start3A_14] : memref<1000x64xf32, #tpu.memory_space<vmem_shared>> -> memref<1000x64xf32, #tpu.memory_space<vmem_shared>>
    tpu.enqueue_indirect_dma source(%dma_start3A_15 : memref<1000x64xf32, #tpu.memory_space<vmem_shared>>) target(%dma_start3A_9 : memref<320x64xf32, #tpu.memory_space<vmem>>) offsets(%dma_start3A_12 : memref<320xi32, #tpu.memory_space<vmem>>) semaphore(%arg8 : memref<!tpu.dma_semaphore, #tpu.memory_space<semaphore_mem>>)
    %dma_start3A_16 = arith.constant 1 : i32
    %dma_start3A_17 = arith.constant 1 : i32
    %dma_start3A_18 = arith.constant 0 : i32
    %dma_start3A_19 = arith.constant 0 : i32
    %dma_start3A_20 = tpu.memref_slice %arg6[%dma_start3A_17, %dma_start3A_18, %dma_start3A_19] : memref<4x320x64xf32, #tpu.memory_space<vmem>> -> memref<1x320x64xf32, #tpu.memory_space<vmem>>
    %dma_start3A_21 = tpu.memref_squeeze %dma_start3A_20 : memref<1x320x64xf32, #tpu.memory_space<vmem>> -> memref<320x64xf32, #tpu.memory_space<vmem>>
    %dma_start3A_22 = arith.constant 0 : i32
    %dma_start3A_23 = tpu.memref_slice %arg5[%dma_start3A_16, %dma_start3A_22] : memref<80x320xi32, #tpu.memory_space<vmem>> -> memref<1x320xi32, #tpu.memory_space<vmem>>
    %dma_start3A_24 = tpu.memref_squeeze %dma_start3A_23 : memref<1x320xi32, #tpu.memory_space<vmem>> -> memref<320xi32, #tpu.memory_space<vmem>>
    %dma_start3A_25 = arith.constant 0 : i32
    %dma_start3A_26 = arith.constant 0 : i32
    %dma_start3A_27 = tpu.memref_slice %arg7[%dma_start3A_25, %dma_start3A_26] : memref<1000x64xf32, #tpu.memory_space<vmem_shared>> -> memref<1000x64xf32, #tpu.memory_space<vmem_shared>>
    tpu.enqueue_indirect_dma source(%dma_start3A_27 : memref<1000x64xf32, #tpu.memory_space<vmem_shared>>) target(%dma_start3A_21 : memref<320x64xf32, #tpu.memory_space<vmem>>) offsets(%dma_start3A_24 : memref<320xi32, #tpu.memory_space<vmem>>) semaphore(%arg9 : memref<!tpu.dma_semaphore, #tpu.memory_space<semaphore_mem>>)
    %scan3A = arith.constant 0 : i32
    %scan3A_28 = arith.constant 0 : i32
    %scan3A_29 = arith.constant 20 : i32
    %scan3A_30 = arith.addi %scan3A_28, %scan3A_29 : i32
    %scan3A_31 = arith.constant 1 : i32
    scf.for %scan3A_58 = %scan3A_28 to %scan3A_30 step %scan3A_31  : i32 {
      %mul3A_59 = arith.constant 4 : i32
      %mul3A_60 = arith.muli %scan3A_58, %mul3A_59 : i32
      %add3A_61 = arith.constant 0 : i32
      %add3A_62 = arith.addi %mul3A_60, %add3A_61 : i32
      %add3A_63 = arith.constant 2 : i32
      %add3A_64 = arith.addi %add3A_62, %add3A_63 : i32
      %lt3A = arith.constant 80 : i32
      %lt3A_65 = arith.cmpi slt, %add3A_64, %lt3A : i32
      %convert_element_type3A_66 = arith.extui %lt3A_65 : i1 to i32
      %cond3A_67 = arith.constant 0 : i32
      %cond3A_68 = arith.cmpi ne, %convert_element_type3A_66, %cond3A_67 : i32
      scf.if %cond3A_68 {
        %add3A_210 = arith.constant 2 : i32
        %add3A_211 = arith.addi %add3A_62, %add3A_210 : i32
        %ge3A = arith.constant 4 : i32
        %ge3A_212 = arith.cmpi sge, %add3A_211, %ge3A : i32
        %convert_element_type3A_213 = arith.extui %ge3A_212 : i1 to i32
        %cond3A_214 = arith.constant 0 : i32
        %cond3A_215 = arith.cmpi ne, %convert_element_type3A_213, %cond3A_214 : i32
        scf.if %cond3A_215 {
          %dma_wait3A_229 = arith.constant 2 : i32
          %dma_wait3A_230 = arith.constant 0 : i32
          %dma_wait3A_231 = arith.constant 0 : i32
          %dma_wait3A_232 = tpu.memref_slice %arg6[%dma_wait3A_229, %dma_wait3A_230, %dma_wait3A_231] : memref<4x320x64xf32, #tpu.memory_space<vmem>> -> memref<1x320x64xf32, #tpu.memory_space<vmem>>
          %dma_wait3A_233 = tpu.memref_squeeze %dma_wait3A_232 : memref<1x320x64xf32, #tpu.memory_space<vmem>> -> memref<320x64xf32, #tpu.memory_space<vmem>>
          %dma_wait3A_234 = arith.constant 0 : i32
          %dma_wait3A_235 = tpu.memref_slice %arg4[%mul3A_2, %dma_wait3A_234] : memref<819200x64xf32, #tpu.memory_space<hbm>> -> memref<320x64xf32, #tpu.memory_space<hbm>>
          %dma_wait3A_236 = arith.constant 0 : i32
          %dma_wait3A_237 = tpu.memref_slice %arg4[%mul3A_2, %dma_wait3A_236] : memref<819200x64xf32, #tpu.memory_space<hbm>> -> memref<320x64xf32, #tpu.memory_space<hbm>>
          %dma_wait3A_238 = arith.constant 0 : i32
          %dma_wait3A_239 = arith.constant 0 : i32
          %dma_wait3A_240 = tpu.memref_slice %arg6[%dma_wait3A_229, %dma_wait3A_238, %dma_wait3A_239] : memref<4x320x64xf32, #tpu.memory_space<vmem>> -> memref<1x320x64xf32, #tpu.memory_space<vmem>>
          %dma_wait3A_241 = tpu.memref_squeeze %dma_wait3A_240 : memref<1x320x64xf32, #tpu.memory_space<vmem>> -> memref<320x64xf32, #tpu.memory_space<vmem>>
          tpu.wait_dma2 semaphore(%arg14 : memref<!tpu.dma_semaphore, #tpu.memory_space<semaphore_mem>>) src(%dma_wait3A_241 : memref<320x64xf32, #tpu.memory_space<vmem>>) dst(%dma_wait3A_237 : memref<320x64xf32, #tpu.memory_space<hbm>>)
        } else {
        }
        %add3A_216 = arith.constant 2 : i32
        %add3A_217 = arith.addi %add3A_62, %add3A_216 : i32
        %dma_start3A_218 = arith.constant 2 : i32
        %dma_start3A_219 = arith.constant 0 : i32
        %dma_start3A_220 = arith.constant 0 : i32
        %dma_start3A_221 = tpu.memref_slice %arg6[%dma_start3A_218, %dma_start3A_219, %dma_start3A_220] : memref<4x320x64xf32, #tpu.memory_space<vmem>> -> memref<1x320x64xf32, #tpu.memory_space<vmem>>
        %dma_start3A_222 = tpu.memref_squeeze %dma_start3A_221 : memref<1x320x64xf32, #tpu.memory_space<vmem>> -> memref<320x64xf32, #tpu.memory_space<vmem>>
        %dma_start3A_223 = arith.constant 0 : i32
        %dma_start3A_224 = tpu.memref_slice %arg5[%add3A_217, %dma_start3A_223] : memref<80x320xi32, #tpu.memory_space<vmem>> -> memref<1x320xi32, #tpu.memory_space<vmem>>
        %dma_start3A_225 = tpu.memref_squeeze %dma_start3A_224 : memref<1x320xi32, #tpu.memory_space<vmem>> -> memref<320xi32, #tpu.memory_space<vmem>>
        %dma_start3A_226 = arith.constant 0 : i32
        %dma_start3A_227 = arith.constant 0 : i32
        %dma_start3A_228 = tpu.memref_slice %arg7[%dma_start3A_226, %dma_start3A_227] : memref<1000x64xf32, #tpu.memory_space<vmem_shared>> -> memref<1000x64xf32, #tpu.memory_space<vmem_shared>>
        tpu.enqueue_indirect_dma source(%dma_start3A_228 : memref<1000x64xf32, #tpu.memory_space<vmem_shared>>) target(%dma_start3A_222 : memref<320x64xf32, #tpu.memory_space<vmem>>) offsets(%dma_start3A_225 : memref<320xi32, #tpu.memory_space<vmem>>) semaphore(%arg10 : memref<!tpu.dma_semaphore, #tpu.memory_space<semaphore_mem>>)
      } else {
      }
      %dma_wait3A_69 = arith.constant 0 : i32
      %dma_wait3A_70 = arith.constant 0 : i32
      %dma_wait3A_71 = arith.constant 0 : i32
      %dma_wait3A_72 = tpu.memref_slice %arg6[%dma_wait3A_69, %dma_wait3A_70, %dma_wait3A_71] : memref<4x320x64xf32, #tpu.memory_space<vmem>> -> memref<1x320x64xf32, #tpu.memory_space<vmem>>
      %dma_wait3A_73 = tpu.memref_squeeze %dma_wait3A_72 : memref<1x320x64xf32, #tpu.memory_space<vmem>> -> memref<320x64xf32, #tpu.memory_space<vmem>>
      %dma_wait3A_74 = arith.constant 0 : i32
      %dma_wait3A_75 = tpu.memref_slice %arg5[%add3A_62, %dma_wait3A_74] : memref<80x320xi32, #tpu.memory_space<vmem>> -> memref<1x320xi32, #tpu.memory_space<vmem>>
      %dma_wait3A_76 = tpu.memref_squeeze %dma_wait3A_75 : memref<1x320xi32, #tpu.memory_space<vmem>> -> memref<320xi32, #tpu.memory_space<vmem>>
      %dma_wait3A_77 = arith.constant 0 : i32
      %dma_wait3A_78 = arith.constant 0 : i32
      %dma_wait3A_79 = tpu.memref_slice %arg7[%dma_wait3A_77, %dma_wait3A_78] : memref<1000x64xf32, #tpu.memory_space<vmem_shared>> -> memref<1000x64xf32, #tpu.memory_space<vmem_shared>>
      tpu.wait_indirect_dma semaphore(%arg8 : memref<!tpu.dma_semaphore, #tpu.memory_space<semaphore_mem>>) src(%dma_wait3A_79 : memref<1000x64xf32, #tpu.memory_space<vmem_shared>>) dst(%dma_wait3A_73 : memref<320x64xf32, #tpu.memory_space<vmem>>)
      %mul3A_80 = arith.constant 320 : i32
      %mul3A_81 = arith.muli %add3A_62, %mul3A_80 : i32
      %add3A_82 = arith.addi %mul3A_2, %mul3A_81 : i32
      %dma_start3A_83 = arith.constant 0 : i32
      %dma_start3A_84 = arith.constant 0 : i32
      %dma_start3A_85 = arith.constant 0 : i32
      %dma_start3A_86 = tpu.memref_slice %arg6[%dma_start3A_83, %dma_start3A_84, %dma_start3A_85] : memref<4x320x64xf32, #tpu.memory_space<vmem>> -> memref<1x320x64xf32, #tpu.memory_space<vmem>>
      %dma_start3A_87 = tpu.memref_squeeze %dma_start3A_86 : memref<1x320x64xf32, #tpu.memory_space<vmem>> -> memref<320x64xf32, #tpu.memory_space<vmem>>
      %dma_start3A_88 = arith.constant 0 : i32
      %dma_start3A_89 = tpu.memref_slice %arg4[%add3A_82, %dma_start3A_88] : memref<819200x64xf32, #tpu.memory_space<hbm>> -> memref<320x64xf32, #tpu.memory_space<hbm>>
      %dma_start3A_90 = arith.constant 0 : i32
      %dma_start3A_91 = tpu.memref_slice %arg4[%add3A_82, %dma_start3A_90] : memref<819200x64xf32, #tpu.memory_space<hbm>> -> memref<320x64xf32, #tpu.memory_space<hbm>>
      %dma_start3A_92 = arith.constant 0 : i32
      %dma_start3A_93 = arith.constant 0 : i32
      %dma_start3A_94 = tpu.memref_slice %arg6[%dma_start3A_83, %dma_start3A_92, %dma_start3A_93] : memref<4x320x64xf32, #tpu.memory_space<vmem>> -> memref<1x320x64xf32, #tpu.memory_space<vmem>>
      %dma_start3A_95 = tpu.memref_squeeze %dma_start3A_94 : memref<1x320x64xf32, #tpu.memory_space<vmem>> -> memref<320x64xf32, #tpu.memory_space<vmem>>
      tpu.enqueue_dma source(%dma_start3A_95 : memref<320x64xf32, #tpu.memory_space<vmem>>) target(%dma_start3A_91 : memref<320x64xf32, #tpu.memory_space<hbm>>) target_semaphore(%arg12 : memref<!tpu.dma_semaphore, #tpu.memory_space<semaphore_mem>>)
      %mul3A_96 = arith.constant 4 : i32
      %mul3A_97 = arith.muli %scan3A_58, %mul3A_96 : i32
      %add3A_98 = arith.constant 1 : i32
      %add3A_99 = arith.addi %mul3A_97, %add3A_98 : i32
      %add3A_100 = arith.constant 2 : i32
      %add3A_101 = arith.addi %add3A_99, %add3A_100 : i32
      %lt3A_102 = arith.constant 80 : i32
      %lt3A_103 = arith.cmpi slt, %add3A_101, %lt3A_102 : i32
      %convert_element_type3A_104 = arith.extui %lt3A_103 : i1 to i32
      %cond3A_105 = arith.constant 0 : i32
      %cond3A_106 = arith.cmpi ne, %convert_element_type3A_104, %cond3A_105 : i32
      scf.if %cond3A_106 {
        %add3A_210 = arith.constant 2 : i32
        %add3A_211 = arith.addi %add3A_99, %add3A_210 : i32
        %ge3A = arith.constant 4 : i32
        %ge3A_212 = arith.cmpi sge, %add3A_211, %ge3A : i32
        %convert_element_type3A_213 = arith.extui %ge3A_212 : i1 to i32
        %cond3A_214 = arith.constant 0 : i32
        %cond3A_215 = arith.cmpi ne, %convert_element_type3A_213, %cond3A_214 : i32
        scf.if %cond3A_215 {
          %dma_wait3A_229 = arith.constant 3 : i32
          %dma_wait3A_230 = arith.constant 0 : i32
          %dma_wait3A_231 = arith.constant 0 : i32
          %dma_wait3A_232 = tpu.memref_slice %arg6[%dma_wait3A_229, %dma_wait3A_230, %dma_wait3A_231] : memref<4x320x64xf32, #tpu.memory_space<vmem>> -> memref<1x320x64xf32, #tpu.memory_space<vmem>>
          %dma_wait3A_233 = tpu.memref_squeeze %dma_wait3A_232 : memref<1x320x64xf32, #tpu.memory_space<vmem>> -> memref<320x64xf32, #tpu.memory_space<vmem>>
          %dma_wait3A_234 = arith.constant 0 : i32
          %dma_wait3A_235 = tpu.memref_slice %arg4[%mul3A_2, %dma_wait3A_234] : memref<819200x64xf32, #tpu.memory_space<hbm>> -> memref<320x64xf32, #tpu.memory_space<hbm>>
          %dma_wait3A_236 = arith.constant 0 : i32
          %dma_wait3A_237 = tpu.memref_slice %arg4[%mul3A_2, %dma_wait3A_236] : memref<819200x64xf32, #tpu.memory_space<hbm>> -> memref<320x64xf32, #tpu.memory_space<hbm>>
          %dma_wait3A_238 = arith.constant 0 : i32
          %dma_wait3A_239 = arith.constant 0 : i32
          %dma_wait3A_240 = tpu.memref_slice %arg6[%dma_wait3A_229, %dma_wait3A_238, %dma_wait3A_239] : memref<4x320x64xf32, #tpu.memory_space<vmem>> -> memref<1x320x64xf32, #tpu.memory_space<vmem>>
          %dma_wait3A_241 = tpu.memref_squeeze %dma_wait3A_240 : memref<1x320x64xf32, #tpu.memory_space<vmem>> -> memref<320x64xf32, #tpu.memory_space<vmem>>
          tpu.wait_dma2 semaphore(%arg15 : memref<!tpu.dma_semaphore, #tpu.memory_space<semaphore_mem>>) src(%dma_wait3A_241 : memref<320x64xf32, #tpu.memory_space<vmem>>) dst(%dma_wait3A_237 : memref<320x64xf32, #tpu.memory_space<hbm>>)
        } else {
        }
        %add3A_216 = arith.constant 2 : i32
        %add3A_217 = arith.addi %add3A_99, %add3A_216 : i32
        %dma_start3A_218 = arith.constant 3 : i32
        %dma_start3A_219 = arith.constant 0 : i32
        %dma_start3A_220 = arith.constant 0 : i32
        %dma_start3A_221 = tpu.memref_slice %arg6[%dma_start3A_218, %dma_start3A_219, %dma_start3A_220] : memref<4x320x64xf32, #tpu.memory_space<vmem>> -> memref<1x320x64xf32, #tpu.memory_space<vmem>>
        %dma_start3A_222 = tpu.memref_squeeze %dma_start3A_221 : memref<1x320x64xf32, #tpu.memory_space<vmem>> -> memref<320x64xf32, #tpu.memory_space<vmem>>
        %dma_start3A_223 = arith.constant 0 : i32
        %dma_start3A_224 = tpu.memref_slice %arg5[%add3A_217, %dma_start3A_223] : memref<80x320xi32, #tpu.memory_space<vmem>> -> memref<1x320xi32, #tpu.memory_space<vmem>>
        %dma_start3A_225 = tpu.memref_squeeze %dma_start3A_224 : memref<1x320xi32, #tpu.memory_space<vmem>> -> memref<320xi32, #tpu.memory_space<vmem>>
        %dma_start3A_226 = arith.constant 0 : i32
        %dma_start3A_227 = arith.constant 0 : i32
        %dma_start3A_228 = tpu.memref_slice %arg7[%dma_start3A_226, %dma_start3A_227] : memref<1000x64xf32, #tpu.memory_space<vmem_shared>> -> memref<1000x64xf32, #tpu.memory_space<vmem_shared>>
        tpu.enqueue_indirect_dma source(%dma_start3A_228 : memref<1000x64xf32, #tpu.memory_space<vmem_shared>>) target(%dma_start3A_222 : memref<320x64xf32, #tpu.memory_space<vmem>>) offsets(%dma_start3A_225 : memref<320xi32, #tpu.memory_space<vmem>>) semaphore(%arg11 : memref<!tpu.dma_semaphore, #tpu.memory_space<semaphore_mem>>)
      } else {
      }
      %dma_wait3A_107 = arith.constant 1 : i32
      %dma_wait3A_108 = arith.constant 0 : i32
      %dma_wait3A_109 = arith.constant 0 : i32
      %dma_wait3A_110 = tpu.memref_slice %arg6[%dma_wait3A_107, %dma_wait3A_108, %dma_wait3A_109] : memref<4x320x64xf32, #tpu.memory_space<vmem>> -> memref<1x320x64xf32, #tpu.memory_space<vmem>>
      %dma_wait3A_111 = tpu.memref_squeeze %dma_wait3A_110 : memref<1x320x64xf32, #tpu.memory_space<vmem>> -> memref<320x64xf32, #tpu.memory_space<vmem>>
      %dma_wait3A_112 = arith.constant 0 : i32
      %dma_wait3A_113 = tpu.memref_slice %arg5[%add3A_99, %dma_wait3A_112] : memref<80x320xi32, #tpu.memory_space<vmem>> -> memref<1x320xi32, #tpu.memory_space<vmem>>
      %dma_wait3A_114 = tpu.memref_squeeze %dma_wait3A_113 : memref<1x320xi32, #tpu.memory_space<vmem>> -> memref<320xi32, #tpu.memory_space<vmem>>
      %dma_wait3A_115 = arith.constant 0 : i32
      %dma_wait3A_116 = arith.constant 0 : i32
      %dma_wait3A_117 = tpu.memref_slice %arg7[%dma_wait3A_115, %dma_wait3A_116] : memref<1000x64xf32, #tpu.memory_space<vmem_shared>> -> memref<1000x64xf32, #tpu.memory_space<vmem_shared>>
      tpu.wait_indirect_dma semaphore(%arg9 : memref<!tpu.dma_semaphore, #tpu.memory_space<semaphore_mem>>) src(%dma_wait3A_117 : memref<1000x64xf32, #tpu.memory_space<vmem_shared>>) dst(%dma_wait3A_111 : memref<320x64xf32, #tpu.memory_space<vmem>>)
      %mul3A_118 = arith.constant 320 : i32
      %mul3A_119 = arith.muli %add3A_99, %mul3A_118 : i32
      %add3A_120 = arith.addi %mul3A_2, %mul3A_119 : i32
      %dma_start3A_121 = arith.constant 1 : i32
      %dma_start3A_122 = arith.constant 0 : i32
      %dma_start3A_123 = arith.constant 0 : i32
      %dma_start3A_124 = tpu.memref_slice %arg6[%dma_start3A_121, %dma_start3A_122, %dma_start3A_123] : memref<4x320x64xf32, #tpu.memory_space<vmem>> -> memref<1x320x64xf32, #tpu.memory_space<vmem>>
      %dma_start3A_125 = tpu.memref_squeeze %dma_start3A_124 : memref<1x320x64xf32, #tpu.memory_space<vmem>> -> memref<320x64xf32, #tpu.memory_space<vmem>>
      %dma_start3A_126 = arith.constant 0 : i32
      %dma_start3A_127 = tpu.memref_slice %arg4[%add3A_120, %dma_start3A_126] : memref<819200x64xf32, #tpu.memory_space<hbm>> -> memref<320x64xf32, #tpu.memory_space<hbm>>
      %dma_start3A_128 = arith.constant 0 : i32
      %dma_start3A_129 = tpu.memref_slice %arg4[%add3A_120, %dma_start3A_128] : memref<819200x64xf32, #tpu.memory_space<hbm>> -> memref<320x64xf32, #tpu.memory_space<hbm>>
      %dma_start3A_130 = arith.constant 0 : i32
      %dma_start3A_131 = arith.constant 0 : i32
      %dma_start3A_132 = tpu.memref_slice %arg6[%dma_start3A_121, %dma_start3A_130, %dma_start3A_131] : memref<4x320x64xf32, #tpu.memory_space<vmem>> -> memref<1x320x64xf32, #tpu.memory_space<vmem>>
      %dma_start3A_133 = tpu.memref_squeeze %dma_start3A_132 : memref<1x320x64xf32, #tpu.memory_space<vmem>> -> memref<320x64xf32, #tpu.memory_space<vmem>>
      tpu.enqueue_dma source(%dma_start3A_133 : memref<320x64xf32, #tpu.memory_space<vmem>>) target(%dma_start3A_129 : memref<320x64xf32, #tpu.memory_space<hbm>>) target_semaphore(%arg13 : memref<!tpu.dma_semaphore, #tpu.memory_space<semaphore_mem>>)
      %mul3A_134 = arith.constant 4 : i32
      %mul3A_135 = arith.muli %scan3A_58, %mul3A_134 : i32
      %add3A_136 = arith.constant 2 : i32
      %add3A_137 = arith.addi %mul3A_135, %add3A_136 : i32
      %add3A_138 = arith.constant 2 : i32
      %add3A_139 = arith.addi %add3A_137, %add3A_138 : i32
      %lt3A_140 = arith.constant 80 : i32
      %lt3A_141 = arith.cmpi slt, %add3A_139, %lt3A_140 : i32
      %convert_element_type3A_142 = arith.extui %lt3A_141 : i1 to i32
      %cond3A_143 = arith.constant 0 : i32
      %cond3A_144 = arith.cmpi ne, %convert_element_type3A_142, %cond3A_143 : i32
      scf.if %cond3A_144 {
        %add3A_210 = arith.constant 2 : i32
        %add3A_211 = arith.addi %add3A_137, %add3A_210 : i32
        %ge3A = arith.constant 4 : i32
        %ge3A_212 = arith.cmpi sge, %add3A_211, %ge3A : i32
        %convert_element_type3A_213 = arith.extui %ge3A_212 : i1 to i32
        %cond3A_214 = arith.constant 0 : i32
        %cond3A_215 = arith.cmpi ne, %convert_element_type3A_213, %cond3A_214 : i32
        scf.if %cond3A_215 {
          %dma_wait3A_229 = arith.constant 0 : i32
          %dma_wait3A_230 = arith.constant 0 : i32
          %dma_wait3A_231 = arith.constant 0 : i32
          %dma_wait3A_232 = tpu.memref_slice %arg6[%dma_wait3A_229, %dma_wait3A_230, %dma_wait3A_231] : memref<4x320x64xf32, #tpu.memory_space<vmem>> -> memref<1x320x64xf32, #tpu.memory_space<vmem>>
          %dma_wait3A_233 = tpu.memref_squeeze %dma_wait3A_232 : memref<1x320x64xf32, #tpu.memory_space<vmem>> -> memref<320x64xf32, #tpu.memory_space<vmem>>
          %dma_wait3A_234 = arith.constant 0 : i32
          %dma_wait3A_235 = tpu.memref_slice %arg4[%mul3A_2, %dma_wait3A_234] : memref<819200x64xf32, #tpu.memory_space<hbm>> -> memref<320x64xf32, #tpu.memory_space<hbm>>
          %dma_wait3A_236 = arith.constant 0 : i32
          %dma_wait3A_237 = tpu.memref_slice %arg4[%mul3A_2, %dma_wait3A_236] : memref<819200x64xf32, #tpu.memory_space<hbm>> -> memref<320x64xf32, #tpu.memory_space<hbm>>
          %dma_wait3A_238 = arith.constant 0 : i32
          %dma_wait3A_239 = arith.constant 0 : i32
          %dma_wait3A_240 = tpu.memref_slice %arg6[%dma_wait3A_229, %dma_wait3A_238, %dma_wait3A_239] : memref<4x320x64xf32, #tpu.memory_space<vmem>> -> memref<1x320x64xf32, #tpu.memory_space<vmem>>
          %dma_wait3A_241 = tpu.memref_squeeze %dma_wait3A_240 : memref<1x320x64xf32, #tpu.memory_space<vmem>> -> memref<320x64xf32, #tpu.memory_space<vmem>>
          tpu.wait_dma2 semaphore(%arg12 : memref<!tpu.dma_semaphore, #tpu.memory_space<semaphore_mem>>) src(%dma_wait3A_241 : memref<320x64xf32, #tpu.memory_space<vmem>>) dst(%dma_wait3A_237 : memref<320x64xf32, #tpu.memory_space<hbm>>)
        } else {
        }
        %add3A_216 = arith.constant 2 : i32
        %add3A_217 = arith.addi %add3A_137, %add3A_216 : i32
        %dma_start3A_218 = arith.constant 0 : i32
        %dma_start3A_219 = arith.constant 0 : i32
        %dma_start3A_220 = arith.constant 0 : i32
        %dma_start3A_221 = tpu.memref_slice %arg6[%dma_start3A_218, %dma_start3A_219, %dma_start3A_220] : memref<4x320x64xf32, #tpu.memory_space<vmem>> -> memref<1x320x64xf32, #tpu.memory_space<vmem>>
        %dma_start3A_222 = tpu.memref_squeeze %dma_start3A_221 : memref<1x320x64xf32, #tpu.memory_space<vmem>> -> memref<320x64xf32, #tpu.memory_space<vmem>>
        %dma_start3A_223 = arith.constant 0 : i32
        %dma_start3A_224 = tpu.memref_slice %arg5[%add3A_217, %dma_start3A_223] : memref<80x320xi32, #tpu.memory_space<vmem>> -> memref<1x320xi32, #tpu.memory_space<vmem>>
        %dma_start3A_225 = tpu.memref_squeeze %dma_start3A_224 : memref<1x320xi32, #tpu.memory_space<vmem>> -> memref<320xi32, #tpu.memory_space<vmem>>
        %dma_start3A_226 = arith.constant 0 : i32
        %dma_start3A_227 = arith.constant 0 : i32
        %dma_start3A_228 = tpu.memref_slice %arg7[%dma_start3A_226, %dma_start3A_227] : memref<1000x64xf32, #tpu.memory_space<vmem_shared>> -> memref<1000x64xf32, #tpu.memory_space<vmem_shared>>
        tpu.enqueue_indirect_dma source(%dma_start3A_228 : memref<1000x64xf32, #tpu.memory_space<vmem_shared>>) target(%dma_start3A_222 : memref<320x64xf32, #tpu.memory_space<vmem>>) offsets(%dma_start3A_225 : memref<320xi32, #tpu.memory_space<vmem>>) semaphore(%arg8 : memref<!tpu.dma_semaphore, #tpu.memory_space<semaphore_mem>>)
      } else {
      }
      %dma_wait3A_145 = arith.constant 2 : i32
      %dma_wait3A_146 = arith.constant 0 : i32
      %dma_wait3A_147 = arith.constant 0 : i32
      %dma_wait3A_148 = tpu.memref_slice %arg6[%dma_wait3A_145, %dma_wait3A_146, %dma_wait3A_147] : memref<4x320x64xf32, #tpu.memory_space<vmem>> -> memref<1x320x64xf32, #tpu.memory_space<vmem>>
      %dma_wait3A_149 = tpu.memref_squeeze %dma_wait3A_148 : memref<1x320x64xf32, #tpu.memory_space<vmem>> -> memref<320x64xf32, #tpu.memory_space<vmem>>
      %dma_wait3A_150 = arith.constant 0 : i32
      %dma_wait3A_151 = tpu.memref_slice %arg5[%add3A_137, %dma_wait3A_150] : memref<80x320xi32, #tpu.memory_space<vmem>> -> memref<1x320xi32, #tpu.memory_space<vmem>>
      %dma_wait3A_152 = tpu.memref_squeeze %dma_wait3A_151 : memref<1x320xi32, #tpu.memory_space<vmem>> -> memref<320xi32, #tpu.memory_space<vmem>>
      %dma_wait3A_153 = arith.constant 0 : i32
      %dma_wait3A_154 = arith.constant 0 : i32
      %dma_wait3A_155 = tpu.memref_slice %arg7[%dma_wait3A_153, %dma_wait3A_154] : memref<1000x64xf32, #tpu.memory_space<vmem_shared>> -> memref<1000x64xf32, #tpu.memory_space<vmem_shared>>
      tpu.wait_indirect_dma semaphore(%arg10 : memref<!tpu.dma_semaphore, #tpu.memory_space<semaphore_mem>>) src(%dma_wait3A_155 : memref<1000x64xf32, #tpu.memory_space<vmem_shared>>) dst(%dma_wait3A_149 : memref<320x64xf32, #tpu.memory_space<vmem>>)
      %mul3A_156 = arith.constant 320 : i32
      %mul3A_157 = arith.muli %add3A_137, %mul3A_156 : i32
      %add3A_158 = arith.addi %mul3A_2, %mul3A_157 : i32
      %dma_start3A_159 = arith.constant 2 : i32
      %dma_start3A_160 = arith.constant 0 : i32
      %dma_start3A_161 = arith.constant 0 : i32
      %dma_start3A_162 = tpu.memref_slice %arg6[%dma_start3A_159, %dma_start3A_160, %dma_start3A_161] : memref<4x320x64xf32, #tpu.memory_space<vmem>> -> memref<1x320x64xf32, #tpu.memory_space<vmem>>
      %dma_start3A_163 = tpu.memref_squeeze %dma_start3A_162 : memref<1x320x64xf32, #tpu.memory_space<vmem>> -> memref<320x64xf32, #tpu.memory_space<vmem>>
      %dma_start3A_164 = arith.constant 0 : i32
      %dma_start3A_165 = tpu.memref_slice %arg4[%add3A_158, %dma_start3A_164] : memref<819200x64xf32, #tpu.memory_space<hbm>> -> memref<320x64xf32, #tpu.memory_space<hbm>>
      %dma_start3A_166 = arith.constant 0 : i32
      %dma_start3A_167 = tpu.memref_slice %arg4[%add3A_158, %dma_start3A_166] : memref<819200x64xf32, #tpu.memory_space<hbm>> -> memref<320x64xf32, #tpu.memory_space<hbm>>
      %dma_start3A_168 = arith.constant 0 : i32
      %dma_start3A_169 = arith.constant 0 : i32
      %dma_start3A_170 = tpu.memref_slice %arg6[%dma_start3A_159, %dma_start3A_168, %dma_start3A_169] : memref<4x320x64xf32, #tpu.memory_space<vmem>> -> memref<1x320x64xf32, #tpu.memory_space<vmem>>
      %dma_start3A_171 = tpu.memref_squeeze %dma_start3A_170 : memref<1x320x64xf32, #tpu.memory_space<vmem>> -> memref<320x64xf32, #tpu.memory_space<vmem>>
      tpu.enqueue_dma source(%dma_start3A_171 : memref<320x64xf32, #tpu.memory_space<vmem>>) target(%dma_start3A_167 : memref<320x64xf32, #tpu.memory_space<hbm>>) target_semaphore(%arg14 : memref<!tpu.dma_semaphore, #tpu.memory_space<semaphore_mem>>)
      %mul3A_172 = arith.constant 4 : i32
      %mul3A_173 = arith.muli %scan3A_58, %mul3A_172 : i32
      %add3A_174 = arith.constant 3 : i32
      %add3A_175 = arith.addi %mul3A_173, %add3A_174 : i32
      %add3A_176 = arith.constant 2 : i32
      %add3A_177 = arith.addi %add3A_175, %add3A_176 : i32
      %lt3A_178 = arith.constant 80 : i32
      %lt3A_179 = arith.cmpi slt, %add3A_177, %lt3A_178 : i32
      %convert_element_type3A_180 = arith.extui %lt3A_179 : i1 to i32
      %cond3A_181 = arith.constant 0 : i32
      %cond3A_182 = arith.cmpi ne, %convert_element_type3A_180, %cond3A_181 : i32
      scf.if %cond3A_182 {
        %add3A_210 = arith.constant 2 : i32
        %add3A_211 = arith.addi %add3A_175, %add3A_210 : i32
        %ge3A = arith.constant 4 : i32
        %ge3A_212 = arith.cmpi sge, %add3A_211, %ge3A : i32
        %convert_element_type3A_213 = arith.extui %ge3A_212 : i1 to i32
        %cond3A_214 = arith.constant 0 : i32
        %cond3A_215 = arith.cmpi ne, %convert_element_type3A_213, %cond3A_214 : i32
        scf.if %cond3A_215 {
          %dma_wait3A_229 = arith.constant 1 : i32
          %dma_wait3A_230 = arith.constant 0 : i32
          %dma_wait3A_231 = arith.constant 0 : i32
          %dma_wait3A_232 = tpu.memref_slice %arg6[%dma_wait3A_229, %dma_wait3A_230, %dma_wait3A_231] : memref<4x320x64xf32, #tpu.memory_space<vmem>> -> memref<1x320x64xf32, #tpu.memory_space<vmem>>
          %dma_wait3A_233 = tpu.memref_squeeze %dma_wait3A_232 : memref<1x320x64xf32, #tpu.memory_space<vmem>> -> memref<320x64xf32, #tpu.memory_space<vmem>>
          %dma_wait3A_234 = arith.constant 0 : i32
          %dma_wait3A_235 = tpu.memref_slice %arg4[%mul3A_2, %dma_wait3A_234] : memref<819200x64xf32, #tpu.memory_space<hbm>> -> memref<320x64xf32, #tpu.memory_space<hbm>>
          %dma_wait3A_236 = arith.constant 0 : i32
          %dma_wait3A_237 = tpu.memref_slice %arg4[%mul3A_2, %dma_wait3A_236] : memref<819200x64xf32, #tpu.memory_space<hbm>> -> memref<320x64xf32, #tpu.memory_space<hbm>>
          %dma_wait3A_238 = arith.constant 0 : i32
          %dma_wait3A_239 = arith.constant 0 : i32
          %dma_wait3A_240 = tpu.memref_slice %arg6[%dma_wait3A_229, %dma_wait3A_238, %dma_wait3A_239] : memref<4x320x64xf32, #tpu.memory_space<vmem>> -> memref<1x320x64xf32, #tpu.memory_space<vmem>>
          %dma_wait3A_241 = tpu.memref_squeeze %dma_wait3A_240 : memref<1x320x64xf32, #tpu.memory_space<vmem>> -> memref<320x64xf32, #tpu.memory_space<vmem>>
          tpu.wait_dma2 semaphore(%arg13 : memref<!tpu.dma_semaphore, #tpu.memory_space<semaphore_mem>>) src(%dma_wait3A_241 : memref<320x64xf32, #tpu.memory_space<vmem>>) dst(%dma_wait3A_237 : memref<320x64xf32, #tpu.memory_space<hbm>>)
        } else {
        }
        %add3A_216 = arith.constant 2 : i32
        %add3A_217 = arith.addi %add3A_175, %add3A_216 : i32
        %dma_start3A_218 = arith.constant 1 : i32
        %dma_start3A_219 = arith.constant 0 : i32
        %dma_start3A_220 = arith.constant 0 : i32
        %dma_start3A_221 = tpu.memref_slice %arg6[%dma_start3A_218, %dma_start3A_219, %dma_start3A_220] : memref<4x320x64xf32, #tpu.memory_space<vmem>> -> memref<1x320x64xf32, #tpu.memory_space<vmem>>
        %dma_start3A_222 = tpu.memref_squeeze %dma_start3A_221 : memref<1x320x64xf32, #tpu.memory_space<vmem>> -> memref<320x64xf32, #tpu.memory_space<vmem>>
        %dma_start3A_223 = arith.constant 0 : i32
        %dma_start3A_224 = tpu.memref_slice %arg5[%add3A_217, %dma_start3A_223] : memref<80x320xi32, #tpu.memory_space<vmem>> -> memref<1x320xi32, #tpu.memory_space<vmem>>
        %dma_start3A_225 = tpu.memref_squeeze %dma_start3A_224 : memref<1x320xi32, #tpu.memory_space<vmem>> -> memref<320xi32, #tpu.memory_space<vmem>>
        %dma_start3A_226 = arith.constant 0 : i32
        %dma_start3A_227 = arith.constant 0 : i32
        %dma_start3A_228 = tpu.memref_slice %arg7[%dma_start3A_226, %dma_start3A_227] : memref<1000x64xf32, #tpu.memory_space<vmem_shared>> -> memref<1000x64xf32, #tpu.memory_space<vmem_shared>>
        tpu.enqueue_indirect_dma source(%dma_start3A_228 : memref<1000x64xf32, #tpu.memory_space<vmem_shared>>) target(%dma_start3A_222 : memref<320x64xf32, #tpu.memory_space<vmem>>) offsets(%dma_start3A_225 : memref<320xi32, #tpu.memory_space<vmem>>) semaphore(%arg9 : memref<!tpu.dma_semaphore, #tpu.memory_space<semaphore_mem>>)
      } else {
      }
      %dma_wait3A_183 = arith.constant 3 : i32
      %dma_wait3A_184 = arith.constant 0 : i32
      %dma_wait3A_185 = arith.constant 0 : i32
      %dma_wait3A_186 = tpu.memref_slice %arg6[%dma_wait3A_183, %dma_wait3A_184, %dma_wait3A_185] : memref<4x320x64xf32, #tpu.memory_space<vmem>> -> memref<1x320x64xf32, #tpu.memory_space<vmem>>
      %dma_wait3A_187 = tpu.memref_squeeze %dma_wait3A_186 : memref<1x320x64xf32, #tpu.memory_space<vmem>> -> memref<320x64xf32, #tpu.memory_space<vmem>>
      %dma_wait3A_188 = arith.constant 0 : i32
      %dma_wait3A_189 = tpu.memref_slice %arg5[%add3A_175, %dma_wait3A_188] : memref<80x320xi32, #tpu.memory_space<vmem>> -> memref<1x320xi32, #tpu.memory_space<vmem>>
      %dma_wait3A_190 = tpu.memref_squeeze %dma_wait3A_189 : memref<1x320xi32, #tpu.memory_space<vmem>> -> memref<320xi32, #tpu.memory_space<vmem>>
      %dma_wait3A_191 = arith.constant 0 : i32
      %dma_wait3A_192 = arith.constant 0 : i32
      %dma_wait3A_193 = tpu.memref_slice %arg7[%dma_wait3A_191, %dma_wait3A_192] : memref<1000x64xf32, #tpu.memory_space<vmem_shared>> -> memref<1000x64xf32, #tpu.memory_space<vmem_shared>>
      tpu.wait_indirect_dma semaphore(%arg11 : memref<!tpu.dma_semaphore, #tpu.memory_space<semaphore_mem>>) src(%dma_wait3A_193 : memref<1000x64xf32, #tpu.memory_space<vmem_shared>>) dst(%dma_wait3A_187 : memref<320x64xf32, #tpu.memory_space<vmem>>)
      %mul3A_194 = arith.constant 320 : i32
      %mul3A_195 = arith.muli %add3A_175, %mul3A_194 : i32
      %add3A_196 = arith.addi %mul3A_2, %mul3A_195 : i32
      %dma_start3A_197 = arith.constant 3 : i32
      %dma_start3A_198 = arith.constant 0 : i32
      %dma_start3A_199 = arith.constant 0 : i32
      %dma_start3A_200 = tpu.memref_slice %arg6[%dma_start3A_197, %dma_start3A_198, %dma_start3A_199] : memref<4x320x64xf32, #tpu.memory_space<vmem>> -> memref<1x320x64xf32, #tpu.memory_space<vmem>>
      %dma_start3A_201 = tpu.memref_squeeze %dma_start3A_200 : memref<1x320x64xf32, #tpu.memory_space<vmem>> -> memref<320x64xf32, #tpu.memory_space<vmem>>
      %dma_start3A_202 = arith.constant 0 : i32
      %dma_start3A_203 = tpu.memref_slice %arg4[%add3A_196, %dma_start3A_202] : memref<819200x64xf32, #tpu.memory_space<hbm>> -> memref<320x64xf32, #tpu.memory_space<hbm>>
      %dma_start3A_204 = arith.constant 0 : i32
      %dma_start3A_205 = tpu.memref_slice %arg4[%add3A_196, %dma_start3A_204] : memref<819200x64xf32, #tpu.memory_space<hbm>> -> memref<320x64xf32, #tpu.memory_space<hbm>>
      %dma_start3A_206 = arith.constant 0 : i32
      %dma_start3A_207 = arith.constant 0 : i32
      %dma_start3A_208 = tpu.memref_slice %arg6[%dma_start3A_197, %dma_start3A_206, %dma_start3A_207] : memref<4x320x64xf32, #tpu.memory_space<vmem>> -> memref<1x320x64xf32, #tpu.memory_space<vmem>>
      %dma_start3A_209 = tpu.memref_squeeze %dma_start3A_208 : memref<1x320x64xf32, #tpu.memory_space<vmem>> -> memref<320x64xf32, #tpu.memory_space<vmem>>
      tpu.enqueue_dma source(%dma_start3A_209 : memref<320x64xf32, #tpu.memory_space<vmem>>) target(%dma_start3A_205 : memref<320x64xf32, #tpu.memory_space<hbm>>) target_semaphore(%arg15 : memref<!tpu.dma_semaphore, #tpu.memory_space<semaphore_mem>>)
    }
    %scan3A_32 = arith.constant 20 : i32
    %dma_wait3A = arith.constant 2 : i32
    %dma_wait3A_33 = arith.constant 0 : i32
    %dma_wait3A_34 = arith.constant 0 : i32
    %dma_wait3A_35 = tpu.memref_slice %arg6[%dma_wait3A, %dma_wait3A_33, %dma_wait3A_34] : memref<4x320x64xf32, #tpu.memory_space<vmem>> -> memref<1x320x64xf32, #tpu.memory_space<vmem>>
    %dma_wait3A_36 = tpu.memref_squeeze %dma_wait3A_35 : memref<1x320x64xf32, #tpu.memory_space<vmem>> -> memref<320x64xf32, #tpu.memory_space<vmem>>
    %dma_wait3A_37 = arith.constant 0 : i32
    %dma_wait3A_38 = tpu.memref_slice %arg4[%mul3A_2, %dma_wait3A_37] : memref<819200x64xf32, #tpu.memory_space<hbm>> -> memref<320x64xf32, #tpu.memory_space<hbm>>
    %dma_wait3A_39 = arith.constant 0 : i32
    %dma_wait3A_40 = tpu.memref_slice %arg4[%mul3A_2, %dma_wait3A_39] : memref<819200x64xf32, #tpu.memory_space<hbm>> -> memref<320x64xf32, #tpu.memory_space<hbm>>
    %dma_wait3A_41 = arith.constant 0 : i32
    %dma_wait3A_42 = arith.constant 0 : i32
    %dma_wait3A_43 = tpu.memref_slice %arg6[%dma_wait3A, %dma_wait3A_41, %dma_wait3A_42] : memref<4x320x64xf32, #tpu.memory_space<vmem>> -> memref<1x320x64xf32, #tpu.memory_space<vmem>>
    %dma_wait3A_44 = tpu.memref_squeeze %dma_wait3A_43 : memref<1x320x64xf32, #tpu.memory_space<vmem>> -> memref<320x64xf32, #tpu.memory_space<vmem>>
    tpu.wait_dma2 semaphore(%arg14 : memref<!tpu.dma_semaphore, #tpu.memory_space<semaphore_mem>>) src(%dma_wait3A_44 : memref<320x64xf32, #tpu.memory_space<vmem>>) dst(%dma_wait3A_40 : memref<320x64xf32, #tpu.memory_space<hbm>>)
    %dma_wait3A_45 = arith.constant 3 : i32
    %dma_wait3A_46 = arith.constant 0 : i32
    %dma_wait3A_47 = arith.constant 0 : i32
    %dma_wait3A_48 = tpu.memref_slice %arg6[%dma_wait3A_45, %dma_wait3A_46, %dma_wait3A_47] : memref<4x320x64xf32, #tpu.memory_space<vmem>> -> memref<1x320x64xf32, #tpu.memory_space<vmem>>
    %dma_wait3A_49 = tpu.memref_squeeze %dma_wait3A_48 : memref<1x320x64xf32, #tpu.memory_space<vmem>> -> memref<320x64xf32, #tpu.memory_space<vmem>>
    %dma_wait3A_50 = arith.constant 0 : i32
    %dma_wait3A_51 = tpu.memref_slice %arg4[%mul3A_2, %dma_wait3A_50] : memref<819200x64xf32, #tpu.memory_space<hbm>> -> memref<320x64xf32, #tpu.memory_space<hbm>>
    %dma_wait3A_52 = arith.constant 0 : i32
    %dma_wait3A_53 = tpu.memref_slice %arg4[%mul3A_2, %dma_wait3A_52] : memref<819200x64xf32, #tpu.memory_space<hbm>> -> memref<320x64xf32, #tpu.memory_space<hbm>>
    %dma_wait3A_54 = arith.constant 0 : i32
    %dma_wait3A_55 = arith.constant 0 : i32
    %dma_wait3A_56 = tpu.memref_slice %arg6[%dma_wait3A_45, %dma_wait3A_54, %dma_wait3A_55] : memref<4x320x64xf32, #tpu.memory_space<vmem>> -> memref<1x320x64xf32, #tpu.memory_space<vmem>>
    %dma_wait3A_57 = tpu.memref_squeeze %dma_wait3A_56 : memref<1x320x64xf32, #tpu.memory_space<vmem>> -> memref<320x64xf32, #tpu.memory_space<vmem>>
    tpu.wait_dma2 semaphore(%arg15 : memref<!tpu.dma_semaphore, #tpu.memory_space<semaphore_mem>>) src(%dma_wait3A_57 : memref<320x64xf32, #tpu.memory_space<vmem>>) dst(%dma_wait3A_53 : memref<320x64xf32, #tpu.memory_space<hbm>>)
    return
  }
}

</mosaic_0001>

<sc_bundles>
// kernel: _gather.3.cloned.1.call-start
scs
__scs_entry_jumppad:
0x0: {  	(pc) =	sbr.rel $0x88, $3  }
0x1: {  	(tag) =	ssettag $0x0;
	lr =	simm.s32 $0x1  }
0x2: {  	[smem:$0x3F9F] =	sst lr;
	_ =	strace $0xD0000000  }
0x3: {  	_ = 	snop  }
0x4: {  	_ = 	snop  }
0x5: {  	_ = 	snop  }
0x6: {  	_ = 	snop  }
0x7: {  	_ = 	snop  }
__scs_overlays_trampoline_lowered:
0x8: {  	[smem:$0x3FAE] =	sst s0  }
0x9: {  	[smem:$0x3FAF] =	sst s1  }
0xa: {  	[smem:$0x3FB0] =	sst s2  }
0xb: {  	[smem:$0x3FB1] =	sst s3  }
0xc: {  	[smem:$0x3FB2] =	sst s4  }
0xd: {  	[smem:$0x3FB3] =	sst s5  }
0xe: {  	[smem:$0x3FB4] =	sst s6  }
0xf: {  	[smem:$0x3FB5] =	sst s7  }
0x10: {  	[smem:$0x3FB6] =	sst s8  }
0x11: {  	[smem:$0x3FB7] =	sst s9;
	s0 =	simm.s32 @!p0 $0x0  }
0x12: {  	s1 =	sld [smem:$0x3F9D];
	s0 =	simm.s32 @p0 $0x1  }
0x13: {  	[smem:$0x3FB8] =	sst s0;
	s0 =	simm.s32 @!p1 $0x0  }
0x14: {  	s2 =	sld [smem:$0x3F9C];
	s0 =	simm.s32 @p1 $0x1  }
0x15: {  	[smem:$0x3FB9] =	sst s0;
	s0 =	simm.s32 @!p2 $0x0  }
0x16: {  	s3 =	sld [smem:$0x3FDB];
	s0 =	simm.s32 @p2 $0x1  }
0x17: {  	s4 =	simm.s32 $0x1BF5;
	[smem:$0x3FBB] =	sst s0  }
0x18: {  	s0 =	sld [smem:$0x3F9E];
	_ =	swait.ge [sflag:s4], $0x0  }
0x19: {  	s7 =	sld [smem:$0x3F9F]  }
0x1a: {  	s8 =	sadd.s32 $0xFFFFE003, lr  }
0x1b: {  	s9 =	sadd.s32 $0xFFFFFEF7, lr;
	s5 =	simm.s32 $0xFFFFFFFF;
	p2 =	slt.u32 s8, $0xFFFFF086  }
0x1c: {  	p1 =	slt.u32 s9, $0xF7A;
	s5 =	simm.s32 @!p2 $0x0  }
0x1d: {  	s5 =	simm.s32 @p1 $0x1;
	p0 =	seq.s32 s7, s2  }
0x1e: {  	s7 =	smul.u32 @!p0 $0xF7A, s2;
	p2 =	seq.s32 @!p0 s5, $0x0  }
0x1f: {  	s9 =	smul.u32 $0xF7A, s1;
	s8 =	simm.s32 @!p0 $0x1BF5;
	p2 =	por !p2, p0  }
0x20: {  	[sflag:s8] =	ssyncset.s32 @!p0 $0xFFFFF086;
	s6 =	sadd.s32 @!p0 s3, s7;
	s7 =	simm.s32 @!p0 $0x108  }
0x21: {  	s3 =	sadd.s32 s3, s9;
	s6 =	sadd.s32 @!p0 $0x88, s6;
	s7 =	simm.s32 @p2 $0x1082  }
0x22: {  	[simem:s7], [sflag:s8] =	dma.local @!p0 [hbm:s6], $0xF7A  }
0x23: {  	s9 =	sor.u32 $0xD0000000, s2;
	s6 =	simm.s32 $0x108;
	_ =	swait.ge @!p0 [sflag:s8], $0x0  }
0x24: {  	s3 =	sadd.s32 $0x88, s3;
	s6 =	simm.s32 @!p1 $0x1082;
	[sflag:s4] =	ssyncset.s32 $0xFFFFF086  }
0x25: {  	[simem:s6], [sflag:s4] =	dma.local [hbm:s3], $0xF7A  }
0x26: {  	[smem:$0x3F9F] =	sst s1;
	(tag) =	ssettag s2;
	_ =	strace s9  }
0x27: {  	s1 =	sld [smem:$0x3FAF]  }
0x28: {  	s2 =	sld [smem:$0x3FB0]  }
0x29: {  	s4 =	sld [smem:$0x3FB2]  }
0x2a: {  	p0 =	seq.s32 s5, $0x0;
	s5 =	sld [smem:$0x3FB3]  }
0x2b: {  	s6 =	sld [smem:$0x3FB4]  }
0x2c: {  	s7 =	sld [smem:$0x3FB5]  }
0x2d: {  	s3 =	simm.s32 $0x108;
	s8 =	sld [smem:$0x3FB6]  }
0x2e: {  	s3 =	simm.s32 @!p0 $0x1082;
	s9 =	sld [smem:$0x3FB7]  }
0x2f: {  	lr =	sadd.s32 s0, s3;
	s0 =	sld [smem:$0x3FAE]  }
0x30: {  	s3 =	sld [smem:$0x3FB1]  }
0x31: {  	[smem:$0x3FBA] =	sst s10  }
0x32: {  	s10 =	sld [smem:$0x3FB8];
	_ =	sdelay $0x3  }
0x33: {  	p0 =	seq.s32 s10, $0x1;
	s10 =	sld [smem:$0x3FBA];
	_ =	sdelay $0x3  }
0x34: {  	[smem:$0x3FBA] =	sst s10  }
0x35: {  	s10 =	sld [smem:$0x3FB9];
	_ =	sdelay $0x3  }
0x36: {  	p1 =	seq.s32 s10, $0x1;
	s10 =	sld [smem:$0x3FBA];
	_ =	sdelay $0x3  }
0x37: {  	[smem:$0x3FBA] =	sst s10  }
0x38: {  	s10 =	sld [smem:$0x3FBB]  }
0x39: {  	_ = 	snop;
	(pc) =	sbr.ind lr, $3  }
0x3a: {  	_ = 	snop  }
0x3b: {  	_ = 	snop  }
0x3c: {  	p2 =	seq.s32 s10, $0x1;
	s10 =	sld [smem:$0x3FBA]  }
0x3d: {  	_ =	shalt  }
0x3e: {  	_ =	shalt  }
0x3f: {  	_ =	shalt  }
0x40: {  	_ =	shalt  }
0x41: {  	_ =	shalt  }
0x42: {  	_ =	shalt  }
0x43: {  	_ =	shalt  }
0x44: {  	_ =	shalt  }
0x45: {  	_ =	shalt  }
0x46: {  	_ =	shalt  }
0x47: {  	_ =	shalt  }
0x48: {  	_ =	shalt  }
0x49: {  	_ =	shalt  }
0x4a: {  	_ =	shalt  }
0x4b: {  	_ =	shalt  }
0x4c: {  	_ =	shalt  }
0x4d: {  	_ =	shalt  }
0x4e: {  	_ =	shalt  }
0x4f: {  	_ =	shalt  }
0x50: {  	_ =	shalt  }
0x51: {  	_ =	shalt  }
0x52: {  	_ =	shalt  }
0x53: {  	_ =	shalt  }
0x54: {  	_ =	shalt  }
0x55: {  	_ =	shalt  }
0x56: {  	_ =	shalt  }
0x57: {  	_ =	shalt  }
0x58: {  	_ =	shalt  }
0x59: {  	_ =	shalt  }
0x5a: {  	_ =	shalt  }
0x5b: {  	_ =	shalt  }
0x5c: {  	_ =	shalt  }
0x5d: {  	_ =	shalt  }
0x5e: {  	_ =	shalt  }
0x5f: {  	_ =	shalt  }
0x60: {  	_ =	shalt  }
0x61: {  	_ =	shalt  }
0x62: {  	_ =	shalt  }
0x63: {  	_ =	shalt  }
0x64: {  	_ =	shalt  }
0x65: {  	_ =	shalt  }
0x66: {  	_ =	shalt  }
0x67: {  	_ =	shalt  }
0x68: {  	_ =	shalt  }
0x69: {  	_ =	shalt  }
0x6a: {  	_ =	shalt  }
0x6b: {  	_ =	shalt  }
0x6c: {  	_ =	shalt  }
0x6d: {  	_ =	shalt  }
0x6e: {  	_ =	shalt  }
0x6f: {  	_ =	shalt  }
0x70: {  	_ =	shalt  }
0x71: {  	_ =	shalt  }
0x72: {  	_ =	shalt  }
0x73: {  	_ =	shalt  }
0x74: {  	_ =	shalt  }
0x75: {  	_ =	shalt  }
0x76: {  	_ =	shalt  }
0x77: {  	_ =	shalt  }
0x78: {  	_ =	shalt  }
0x79: {  	_ =	shalt  }
0x7a: {  	_ =	shalt  }
0x7b: {  	_ =	shalt  }
0x7c: {  	_ =	shalt  }
0x7d: {  	_ =	shalt  }
0x7e: {  	_ =	shalt  }
0x7f: {  	_ =	shalt  }
0x80: {  	_ =	shalt  }
0x81: {  	_ =	shalt  }
0x82: {  	_ =	shalt  }
0x83: {  	_ =	shalt  }
0x84: {  	_ =	shalt  }
0x85: {  	_ =	shalt  }
0x86: {  	_ =	shalt  }
0x87: {  	_ =	shalt  }
.Lfunc_end0:
.L_simem_size_0:
called_computation.1_lowered:
.L_overlay_start_0:
0x88: {  	s2 =	sld [smem:$0x3FD9]  }
0x89: {  	s3 =	sld [smem:$0x3FFE];
	_ =	sdelay $0x1  }
0x8a: {  	s1 =	srdreg.scid  }
0x8b: {  	s0 =	sand.u32 $0x1, s1  }
0x8c: {  	s17 =	sshll.u32 s0, $0xA;
	s2 =	sadd.s32 s3, s2  }
0x8d: {  	s2 =	sadd.s32 s2, s17  }
0x8e: {  	[smem:$0x3FC6] =	sst s2  }
0x8f: {  	_ = 	snop  }
0x90: {  	s2 =	sld [smem:$0x3FD0];
	(tm) =	ssettm $0x1  }
0x91: {  	s18 =	sld [smem:$0x3FFB];
	_ =	sdelay $0x3  }
0x92: {  	_ =	strace s18  }
0x93: {  	s3 =	sld [smem:$0x3FFC];
	_ =	sdelay $0x3  }
0x94: {  	_ =	strace s3  }
0x95: {  	s3 =	sld [smem:$0x3FFD];
	_ =	sdelay $0x3  }
0x96: {  	_ =	strace s3  }
0x97: {  	_ =	strace $0x8FFFFFFF  }
0x98: {  	s19 =	sld [smem:$0x3FDB];
	_ =	sdelay $0x1  }
0x99: {  	s4 =	simm.s32 $_scs_section_size  }
0x9a: {  	s5 =	simm.s32 $_size__tile_overlayer_lowered;
	s6 =	simm.s32 $_tile_overlayer_lowered  }
0x9b: {  	s22 =	simm.s32 $0x1BFF;
	s21 =	sshll.u32 s6, $0x1;
	s3 =	sadd.s32 s4, s19  }
0x9c: {  	s7 =	simm.s32 $0x0;
	s20 =	sshll.u32 s5, $0x1;
	s5 =	sadd.s32 s21, s3  }
0x9d: {  	[timem:s7], [sflag:s22] =	dma.local [hbm:s5], s20  }
0x9e: {  	_ =	swait.ge [sflag:s22], s20  }
0x9f: {  	s4 =	ssub.s32 $0x0, s20;
	[sflag:s22] =	ssyncset.done $0x0  }
0xa0: {  	[sflag:s22] =	ssyncadd.s32 s4;
	_ =	sdelay $0x1  }
0xa1: {  	s23 =	simm.s32 $0x1B8B  }
0xa2: {  	_ =	swait.ge [sflag:s23], $0x1  }
0xa3: {  	[sflag:s23] =	ssyncset.done $0x0  }
0xa4: {  	s25 =	simm.s32 $0x1B8E;
	s24 =	sld [smem:$0x3FFE];
	[sflag:s23] =	ssyncadd.s32 $0xFFFFFFFF  }
0xa5: {  	s26 =	simm.s32 $execute0_lowered;
	[smem:$0x3FD2] =	sst s25  }
0xa6: {  	s5 =	sshll.u32 s26, $0x1;
	_ =	strace $0x80000046;
	[dreg:$0x1] =	wrdreg $0xFFFFFFFF  }
0xa7: {  	s28 =	simm.s32 $_size_execute0_lowered;
	s3 =	sadd.s32 s3, s5;
	[dreg:$0x0] =	wrdreg $0x0  }
0xa8: {  	s5 =	sshll.u32 s28, $0x1;
	[dreg:$0x2] =	wrdreg s3  }
0xa9: {  	[dreg:$0x3] =	wrdreg s5  }
0xaa: {  	[dreg:$0x4] =	wrdreg $0xC0  }
0xab: {  	_ =	task [dreg:s7], $0x5FFFF  }
0xac: {  	[dreg:$0x1] =	wrdreg $0xFFFFFFFF  }
0xad: {  	[dreg:$0x0] =	wrdreg $0x60  }
0xae: {  	[dreg:$0x2] =	wrdreg s24  }
0xaf: {  	[dreg:$0x3] =	wrdreg s2  }
0xb0: {  	[dreg:$0x4] =	wrdreg $0x1A4000  }
0xb1: {  	[dreg:$0x5] =	wrdreg $0x9  }
0xb2: {  	_ =	task.clear_ibuf [dreg:s7], $0x6FFFF;
	_ =	strace $0x90000046  }
0xb3: {  	s29 =	simm.s32 $0x9;
	_ =	strace $0x80000048  }
0xb4: {  	_ =	swait.ge [sflag:s29], $0x1  }
0xb5: {  	[sflag:s29] =	ssyncadd.s32 $0xFFFFFFFF  }
0xb6: {  	_ =	strace $0x90000048  }
0xb7: {  	_ =	sfence  }
0xb8: {  	s30 =	sld [smem:$0x0];
	_ =	sdelay $0x2  }
0xb9: {  	s31 =	sshll.u32 s1, $0xD;
	s1 =	sshrl.u32 s1, $0x2  }
0xba: {  	s3 =	sand.u32 $0x4000, s31;
	s1 =	sadd.s32 s1, s30  }
0xbb: {  	s0 =	sor.u32 s3, s0;
	s1 =	sshll.u32 s1, $0x11  }
0xbc: {  	s0 =	sor.u32 s1, s0  }
0xbd: {  	s0 =	sadd.s32 $0x8F2B, s0  }
0xbe: {  	[sflag:s0] =	ssyncadd.remote.s32 $0x1  }
0xbf: {  	_ =	sfence.sel $0xFFFF  }
0xc0: {  	[dreg:$0x0] =	wrdreg $0xFFFFFFFF;
	(pc) =	sbr.abs _section_cstart, $3  }
0xc1: {  	[dreg:$0x1] =	wrdreg $0xFFFFFFFF  }
0xc2: {  	_ =	task.clear_ibuf [dreg:s7], $0x2FFFF;
	_ =	strace $0x9FFFFFFF  }
0xc3: {  	(tm) =	ssettm $0x7FFFFFFF  }
tec
execute0_lowered:
.L_overlay_start_1:
0x0: {  	(tag) =	ssettag $0x1  }
0x1: {  	s3 =	rddreg [dreg:$0x0]  }
0x2: {  	s0 =	srdreg.scid;
	s7 =	rddreg [dreg:$0x1]  }
0x3: {  	s9 =	stileid.u32;
	s1 =	rddreg [dreg:$0x2]  }
0x4: {  	s2 =	simm.s32 $0x0;
	s13 =	simm.s32 $0x6400;
	s14 =	simm.s32 $0xB400  }
0x5: {  	s15 =	simm.s32 $0x10400;
	s16 =	simm.s32 $0x1;
	s17 =	simm.s32 $0x15400  }
0x6: {  	s18 =	simm.s32 $0x2;
	s19 =	simm.s32 $0x3;
	s20 =	simm.s32 $0x4  }
0x7: {  	s21 =	simm.s32 $0x7;
	s22 =	simm.s32 $0x8;
	s23 =	simm.s32 $0x0  }
0x8: {  	s5 =	sand.u32 $0x1, s0;
	s24 =	sshll.u32 s9, $0x1;
	s6 =	smul.u32 $0xC800, s9  }
0x9: {  	[smem:$0x7FF] =	sst s2;
	s25 =	sadd.s32 $0x800, s3;
	s28 =	smul.u32 $0x64000, s9  }
0xa: {  	p0 =	sne.s32 s9, $0x0;
	s0 =	sor.u32 s5, s24;
	s8 =	smul.u32 $0x6400, s5  }
0xb: {  	_ =	strace $0x80000047;
	s10 =	ssub.s32 $0x2, s5;
	s12 =	smul.u32 $0x32000, s5  }
0xc: {  	[dreg:$0x4] =	wrdreg s25;
	s4 =	smul.u32 $0x6400, s0;
	s11 =	sshrl.u32 s10, $0x1  }
0xd: {  	s0 =	sshrl.u32 @!p0 s1, $0x3;
	s6 =	sadd.s32 s8, s6;
	s26 =	ssub.s32 s10, s11  }
0xe: {  	[dreg:$0x7] =	wrdreg s0;
	s4 =	sshrl.u32 s4, $0x3;
	s6 =	sshll.u32 s6, $0x3  }
0xf: {  	s31 =	smax.u32 s26, $0x1;
	s4 =	sadd.s32 s4, s3;
	s30 =	sadd.s32 s6, s7  }
0x10: {  	[dreg:$0x6] =	wrdreg s31;
	s7 =	sadd.s32 s28, s7;
	s29 =	sadd.s32 $0x2800, s4  }
0x11: {  	s6 =	sadd.s32 $0xA00, s30;
	s7 =	sadd.s32 s12, s7;
	s8 =	sadd.s32 $0x1E00, s30  }
0x12: {  	s9 =	sadd.s32 $0x1400, s30;
	s12 =	simm.s32 $0x140;
	[dreg:$0x5] =	wrdreg s29  }
.LBB2_1:
0x13: {  	s0 =	rddreg [dreg:$0x4]  }
0x14: {  	s24 =	simm.s32 @!p0 $0x1C09;
	s3 =	rddreg [dreg:$0x7]  }
0x15: {  	[spmem:s3], [sflag:s24] =	dma.local @!p0 [hbm:s0], $0x1F40  }
0x16: {  	s24 =	simm.s32 @!p0 $0x9  }
0x17: {  	_ =	swait.ge @!p0 [sflag:s24], $0x1F40  }
0x18: {  	[sflag:s24] =	ssyncset.done @!p0 $0x0  }
0x19: {  	[sflag:s24] =	ssyncadd.s32 @!p0 $0xFFFFE0C0  }
0x1a: {  	[bflag:$0x0] =	sbarrier.arrive $0xFFFF  }
0x1b: {  	s25 =	simm.s32 $0x9;
	s24 =	rddreg [dreg:$0x5]  }
0x1c: {  	[tilespmem:s2], [sflag:$0x9] =	stream.linear.gather [hbm4b:s24+s2], $0x6400, $0x38;
	[tilespmem:$0x1B3A0] =	vst v63  }
0x1d: {  	_ =	swait.ge [sflag:s25], $0x6400  }
0x1e: {  	[sflag:s25] =	ssyncset.done $0x0  }
0x1f: {  	p1 =	por $0x1, $0x1;
	[sflag:s25] =	ssyncadd.s32 $0xFFFF9C00  }
0x20: {  	[tilespmem:s13], [sflag:$0x1] =	stream.indirect.gather [spmem:s1], $0x40, s2, s12, $0xb8;
	[tilespmem:$0x1B3A0] =	vst v63  }
0x21: {  	s24 =	simm.s32 @!p1 $0x7  }
0x22: {  	[tilespmem:s14], [sflag:$0x2] =	stream.indirect.gather [spmem:s1], $0x40, s12, s12, $0xb8;
	[tilespmem:$0x1B3A0] =	vst v63  }
0x23: {  	_ =	swait.ge @!p1 [sflag:s24], $0x5000  }
0x24: {  	[sflag:s24] =	ssyncset.done @!p1 $0x0  }
0x25: {  	s25 =	simm.s32 $0x280;
	[sflag:s24] =	ssyncadd.s32 @!p1 $0xFFFFB000  }
0x26: {  	[tilespmem:s15], [sflag:$0x3] =	stream.indirect.gather [spmem:s1], $0x40, s25, s12, $0xb8;
	[tilespmem:$0x1B3A0] =	vst v63  }
0x27: {  	_ =	swait.ge [sflag:s16], $0x5000  }
0x28: {  	[sflag:s16] =	ssyncset.done $0x0  }
0x29: {  	s24 =	simm.s32 @!p1 $0x8;
	[sflag:s16] =	ssyncadd.s32 $0xFFFFB000  }
0x2a: {  	[hbm4b:s7+s2] =	stream.linear.scatter [tilespmem:s13], [sflag:$0x5], $0x5000, $0x38;
	[tilespmem:$0x1B3A0] =	vst v63  }
0x2b: {  	_ =	swait.ge @!p1 [sflag:s24], $0x5000  }
0x2c: {  	[sflag:s24] =	ssyncset.done @!p1 $0x0  }
0x2d: {  	s26 =	simm.s32 $0x3C0;
	[sflag:s24] =	ssyncadd.s32 @!p1 $0xFFFFB000  }
0x2e: {  	[tilespmem:s17], [sflag:$0x4] =	stream.indirect.gather [spmem:s1], $0x40, s26, s12, $0xb8;
	[tilespmem:$0x1B3A0] =	vst v63  }
0x2f: {  	_ =	swait.ge [sflag:s18], $0x5000  }
0x30: {  	p1 =	por $0x0, $0x0;
	[sflag:s18] =	ssyncset.done $0x0  }
0x31: {  	s24 =	simm.s32 @!p1 $0x5;
	[sflag:s18] =	ssyncadd.s32 $0xFFFFB000  }
0x32: {  	[hbm4b:s6+s2] =	stream.linear.scatter [tilespmem:s14], [sflag:$0x6], $0x5000, $0x38;
	[tilespmem:$0x1B3A0] =	vst v63  }
0x33: {  	_ =	swait.ge @!p1 [sflag:s24], $0x5000  }
0x34: {  	s25 =	simm.s32 @!p1 $0x500;
	[sflag:s24] =	ssyncset.done @!p1 $0x0  }
0x35: {  	s28 =	simm.s32 @!p1 $0x140;
	s26 =	simm.s32 @!p1 $0x6400;
	[sflag:s24] =	ssyncadd.s32 @!p1 $0xFFFFB000  }
0x36: {  	[tilespmem:s26], [sflag:$0x1] =	stream.indirect.gather @!p1 [spmem:s1], $0x40, s25, s28, $0xb8;
	[tilespmem:$0x1B3A0] =	vst v63  }
0x37: {  	_ =	swait.ge [sflag:s19], $0x5000  }
0x38: {  	[sflag:s19] =	ssyncset.done $0x0  }
0x39: {  	s24 =	simm.s32 @!p1 $0x6;
	[sflag:s19] =	ssyncadd.s32 $0xFFFFB000  }
0x3a: {  	[hbm4b:s9+s2] =	stream.linear.scatter [tilespmem:s15], [sflag:$0x7], $0x5000, $0x38;
	[tilespmem:$0x1B3A0] =	vst v63  }
0x3b: {  	s30 =	simm.s32 $0x2800;
	_ =	swait.ge @!p1 [sflag:s24], $0x5000  }
0x3c: {  	p2 =	por $0x0, $0x0;
	s31 =	smov.u32 s8;
	[sflag:s24] =	ssyncset.done @!p1 $0x0  }
0x3d: {  	s29 =	simm.s32 @!p1 $0xB400;
	s25 =	simm.s32 @!p1 $0x640;
	[sflag:s24] =	ssyncadd.s32 @!p1 $0xFFFFB000  }
0x3e: {  	[tilespmem:s29], [sflag:$0x2] =	stream.indirect.gather @!p1 [spmem:s1], $0x40, s25, s28, $0xb8;
	[tilespmem:$0x1B3A0] =	vst v63  }
0x3f: {  	s26 =	simm.s32 $0x1400;
	s24 =	sadd.s32 $0x2800, s8;
	s25 =	sadd.s32 $0x2800, s9  }
0x40: {  	s29 =	sadd.s32 $0x2800, s7;
	s28 =	sadd.s32 $0x2800, s6;
	_ =	swait.ge [sflag:s20], $0x5000  }
.LBB2_2:
0x41: {  	s0 =	simm.s32 @!p2 $0x7  }
0x42: {  	[sflag:s20] =	ssyncset.done $0x0;
	s3 =	smov.u32 s30;
	s30 =	sadd.s32 $0x1400, s30  }
0x43: {  	p1 =	sne.s32 s30, $0x19000;
	[sflag:s20] =	ssyncadd.s32 $0xFFFFB000  }
0x44: {  	[hbm4b:s31+s2] =	stream.linear.scatter [tilespmem:s17], [sflag:$0x8], $0x5000, $0x38;
	[tilespmem:$0x1B3A0] =	vst v63  }
0x45: {  	s4 =	sshra.s32 s26, $0x2;
	s31 =	smov.u32 s24;
	_ =	swait.ge @!p2 [sflag:s0], $0x5000  }
0x46: {  	s5 =	sadd.s32 $0x280, s4;
	[sflag:s0] =	ssyncset.done @!p2 $0x0  }
0x47: {  	[sflag:s0] =	ssyncadd.s32 @!p2 $0xFFFFB000  }
0x48: {  	[tilespmem:s15], [sflag:$0x3] =	stream.indirect.gather [spmem:s1], $0x40, s5, s12, $0xb8;
	[tilespmem:$0x1B3A0] =	vst v63  }
0x49: {  	_ =	swait.ge [sflag:s16], $0x5000  }
0x4a: {  	s0 =	simm.s32 @!p2 $0x8;
	[sflag:s16] =	ssyncset.done $0x0  }
0x4b: {  	[sflag:s16] =	ssyncadd.s32 $0xFFFFB000  }
0x4c: {  	[hbm4b:s29+s2] =	stream.linear.scatter [tilespmem:s13], [sflag:$0x5], $0x5000, $0x38;
	[tilespmem:$0x1B3A0] =	vst v63  }
0x4d: {  	_ =	swait.ge @!p2 [sflag:s0], $0x5000  }
0x4e: {  	s4 =	sadd.s32 $0x3C0, s4;
	[sflag:s0] =	ssyncset.done @!p2 $0x0  }
0x4f: {  	[sflag:s0] =	ssyncadd.s32 @!p2 $0xFFFFB000  }
0x50: {  	[tilespmem:s17], [sflag:$0x4] =	stream.indirect.gather [spmem:s1], $0x40, s4, s12, $0xb8;
	[tilespmem:$0x1B3A0] =	vst v63  }
0x51: {  	_ =	swait.ge [sflag:s18], $0x5000  }
0x52: {  	p2 =	seq.s32 s26, $0x17C00;
	[sflag:s18] =	ssyncset.done $0x0  }
0x53: {  	s0 =	simm.s32 @!p2 $0x5;
	s4 =	sshra.s32 @!p2 s26, $0x2;
	[sflag:s18] =	ssyncadd.s32 $0xFFFFB000  }
0x54: {  	[hbm4b:s28+s2] =	stream.linear.scatter [tilespmem:s14], [sflag:$0x6], $0x5000, $0x38;
	[tilespmem:$0x1B3A0] =	vst v63  }
0x55: {  	s5 =	sadd.s32 @!p2 $0x500, s4;
	s4 =	sadd.s32 @!p2 $0x640, s4;
	_ =	swait.ge @!p2 [sflag:s0], $0x5000  }
0x56: {  	s10 =	simm.s32 @!p2 $0x140;
	s11 =	simm.s32 @!p2 $0x6400;
	[sflag:s0] =	ssyncset.done @!p2 $0x0  }
0x57: {  	s26 =	smov.u32 s3;
	[sflag:s0] =	ssyncadd.s32 @!p2 $0xFFFFB000  }
0x58: {  	[tilespmem:s11], [sflag:$0x1] =	stream.indirect.gather @!p2 [spmem:s1], $0x40, s5, s10, $0xb8;
	[tilespmem:$0x1B3A0] =	vst v63  }
0x59: {  	_ =	swait.ge [sflag:s19], $0x5000  }
0x5a: {  	[sflag:s19] =	ssyncset.done $0x0  }
0x5b: {  	s0 =	simm.s32 @!p2 $0x6;
	[sflag:s19] =	ssyncadd.s32 $0xFFFFB000  }
0x5c: {  	[hbm4b:s25+s2] =	stream.linear.scatter [tilespmem:s15], [sflag:$0x7], $0x5000, $0x38;
	[tilespmem:$0x1B3A0] =	vst v63  }
.Ltmp0:
0x5d: {  	_ =	swait.ge @!p2 [sflag:s0], $0x5000;
	(pc) =	sbr.rel @p1 .LBB2_2-.Ltmp0, $4  }
0x5e: {  	s3 =	simm.s32 @!p2 $0xB400;
	s25 =	sadd.s32 $0x2800, s25;
	[sflag:s0] =	ssyncset.done @!p2 $0x0  }
0x5f: {  	s24 =	sadd.s32 $0x2800, s24;
	s29 =	sadd.s32 $0x2800, s29;
	[sflag:s0] =	ssyncadd.s32 @!p2 $0xFFFFB000  }
0x60: {  	[tilespmem:s3], [sflag:$0x2] =	stream.indirect.gather @!p2 [spmem:s1], $0x40, s4, s10, $0xb8;
	[tilespmem:$0x1B3A0] =	vst v63  }
0x61: {  	s28 =	sadd.s32 $0x2800, s28;
	p2 =	seq.s32 s26, $0x0;
	_ =	swait.ge [sflag:s20], $0x5000  }
0x62: {  	[sflag:s20] =	ssyncset.done $0x0  }
0x63: {  	s0 =	simm.s32 @!p2 $0x7;
	[sflag:s20] =	ssyncadd.s32 $0xFFFFB000  }
0x64: {  	[hbm4b:s31+s2] =	stream.linear.scatter [tilespmem:s17], [sflag:$0x8], $0x5000, $0x38;
	[tilespmem:$0x1B3A0] =	vst v63  }
0x65: {  	_ =	swait.ge @!p2 [sflag:s0], $0x5000  }
0x66: {  	s3 =	sshra.s32 s26, $0x2;
	[sflag:s0] =	ssyncset.done @!p2 $0x0  }
0x67: {  	s4 =	sadd.s32 $0x280, s3;
	[sflag:s0] =	ssyncadd.s32 @!p2 $0xFFFFB000  }
0x68: {  	[tilespmem:s15], [sflag:$0x3] =	stream.indirect.gather [spmem:s1], $0x40, s4, s12, $0xb8;
	[tilespmem:$0x1B3A0] =	vst v63  }
0x69: {  	_ =	swait.ge [sflag:s16], $0x5000  }
0x6a: {  	[sflag:s16] =	ssyncset.done $0x0  }
0x6b: {  	s0 =	simm.s32 @!p2 $0x8;
	[sflag:s16] =	ssyncadd.s32 $0xFFFFB000  }
0x6c: {  	[hbm4b:s29+s2] =	stream.linear.scatter [tilespmem:s13], [sflag:$0x5], $0x5000, $0x38;
	[tilespmem:$0x1B3A0] =	vst v63  }
0x6d: {  	_ =	swait.ge @!p2 [sflag:s0], $0x5000  }
0x6e: {  	[sflag:s0] =	ssyncset.done @!p2 $0x0  }
0x6f: {  	s3 =	sadd.s32 $0x3C0, s3;
	[sflag:s0] =	ssyncadd.s32 @!p2 $0xFFFFB000  }
0x70: {  	[tilespmem:s17], [sflag:$0x4] =	stream.indirect.gather [spmem:s1], $0x40, s3, s12, $0xb8;
	[tilespmem:$0x1B3A0] =	vst v63  }
0x71: {  	_ =	swait.ge [sflag:s18], $0x5000  }
0x72: {  	p1 =	seq.s32 s26, $0x17C00;
	[sflag:s18] =	ssyncset.done $0x0  }
0x73: {  	s0 =	simm.s32 @!p1 $0x5;
	[sflag:s18] =	ssyncadd.s32 $0xFFFFB000  }
0x74: {  	[hbm4b:s28+s2] =	stream.linear.scatter [tilespmem:s14], [sflag:$0x6], $0x5000, $0x38;
	[tilespmem:$0x1B3A0] =	vst v63  }
0x75: {  	_ =	swait.ge @!p1 [sflag:s0], $0x5000  }
0x76: {  	s5 =	simm.s32 @!p1 $0x140;
	s3 =	sshra.s32 @!p1 s26, $0x2;
	[sflag:s0] =	ssyncset.done @!p1 $0x0  }
0x77: {  	s10 =	simm.s32 @!p1 $0x6400;
	s4 =	sadd.s32 @!p1 $0x500, s3;
	[sflag:s0] =	ssyncadd.s32 @!p1 $0xFFFFB000  }
0x78: {  	[tilespmem:s10], [sflag:$0x1] =	stream.indirect.gather @!p1 [spmem:s1], $0x40, s4, s5, $0xb8;
	[tilespmem:$0x1B3A0] =	vst v63  }
0x79: {  	_ =	swait.ge [sflag:s19], $0x5000  }
0x7a: {  	[sflag:s19] =	ssyncset.done $0x0  }
0x7b: {  	s0 =	simm.s32 @!p1 $0x6;
	[sflag:s19] =	ssyncadd.s32 $0xFFFFB000  }
0x7c: {  	[hbm4b:s25+s2] =	stream.linear.scatter [tilespmem:s15], [sflag:$0x7], $0x5000, $0x38;
	[tilespmem:$0x1B3A0] =	vst v63  }
0x7d: {  	_ =	swait.ge @!p1 [sflag:s0], $0x5000  }
0x7e: {  	[sflag:s0] =	ssyncset.done @!p1 $0x0  }
0x7f: {  	s3 =	sadd.s32 @!p1 $0x640, s3;
	s4 =	simm.s32 @!p1 $0xB400;
	[sflag:s0] =	ssyncadd.s32 @!p1 $0xFFFFB000  }
0x80: {  	[tilespmem:s4], [sflag:$0x2] =	stream.indirect.gather @!p1 [spmem:s1], $0x40, s3, s5, $0xb8;
	[tilespmem:$0x1B3A0] =	vst v63  }
0x81: {  	_ =	swait.ge [sflag:s20], $0x5000  }
0x82: {  	[sflag:s20] =	ssyncset.done $0x0  }
0x83: {  	[sflag:s20] =	ssyncadd.s32 $0xFFFFB000  }
0x84: {  	[hbm4b:s24+s2] =	stream.linear.scatter [tilespmem:s17], [sflag:$0x8], $0x5000, $0x38;
	[tilespmem:$0x1B3A0] =	vst v63  }
0x85: {  	_ =	swait.ge [sflag:s21], $0x5000  }
0x86: {  	[sflag:s21] =	ssyncset.done $0x0  }
0x87: {  	[sflag:s21] =	ssyncadd.s32 $0xFFFFB000  }
0x88: {  	_ =	swait.ge [sflag:s22], $0x5000  }
0x89: {  	s23 =	sadd.s32 $0x1, s23;
	s31 =	rddreg [dreg:$0x6]  }
0x8a: {  	p1 =	sne.s32 s23, s31  }
.Ltmp1:
0x8b: {  	_ = 	snop;
	(pc) =	sbr.rel @p1 .LBB2_1-.Ltmp1, $3  }
0x8c: {  	_ =	sdelay $0x1  }
0x8d: {  	[sflag:s22] =	ssyncset.done $0x0  }
0x8e: {  	[sflag:s22] =	ssyncadd.s32 $0xFFFFB000  }
0x8f: {  	_ =	sfence.sel $0x180000  }
0x90: {  	[bflag:$0x0] =	sbarrier.arrive $0xFFFF  }
0x91: {  	_ =	strace $0x90000047  }
0x92: {  	[bflag:$0x2] =	sbarrier.arrive $0xFFFF  }
0x93: {  	s0 =	rddreg [dreg:$0x3]  }
0x94: {  	s0 =	sadd.s32 @!p0 $0x100000, s0  }
0x95: {  	[sflag:s0] =	ssyncadd.tile.s32 @!p0 $0x1;
	_ =	shalt  }
.Lfunc_end2:
_tile_overlayer_lowered:
.L_overlay_start_2:
0x96: {  	(tag) =	ssettag $0x2  }
0x97: {  	s0 =	rddreg [dreg:$0x0];
	s2 =	stileid.u32  }
0x98: {  	s1 =	rddreg [dreg:$0x1];
	p0 =	sne.s32 s2, $0x0  }
0x99: {  	s3 =	rddreg [dreg:$0x2];
	[bflag:$0x3] =	sbarrier.arrive $0xFFFF;
	s2 =	simm.s32 @!p0 $0x1C09  }
0x9a: {  	[timem:s3], [sflag:s2] =	dma.local @!p0 [hbm:s0], s1  }
0x9b: {  	s0 =	simm.s32 @!p0 $0x9  }
0x9c: {  	_ =	swait.ge @!p0 [sflag:s0], s1  }
0x9d: {  	s1 =	ssub.s32 @!p0 $0x0, s1;
	[sflag:s0] =	ssyncset.done @!p0 $0x0  }
0x9e: {  	[sflag:s0] =	ssyncadd.s32 @!p0 s1  }
0x9f: {  	[bflag:$0x3] =	sbarrier.arrive $0xFFFF  }
0xa0: {  	_ =	shalt  }

// kernel: sparse-core-data-format-call.cloned.1.call-start
scs
called_computation_lowered:
.L_overlay_start_0:
0x0: {  	s2 =	sld [smem:$0x3FD9]  }
0x1: {  	s3 =	sld [smem:$0x3FFE];
	_ =	sdelay $0x1  }
0x2: {  	s1 =	srdreg.scid  }
0x3: {  	s0 =	sand.u32 $0x1, s1  }
0x4: {  	s18 =	sshll.u32 s0, $0xA;
	s2 =	sadd.s32 s3, s2  }
0x5: {  	s2 =	sadd.s32 s2, s18  }
0x6: {  	[smem:$0x3FC6] =	sst s2  }
0x7: {  	_ = 	snop  }
0x8: {  	s2 =	sld [smem:$0x3FD0];
	(tm) =	ssettm $0x1  }
0x9: {  	s19 =	sld [smem:$0x3FFB];
	_ =	sdelay $0x3  }
0xa: {  	_ =	strace s19  }
0xb: {  	s3 =	sld [smem:$0x3FFC];
	_ =	sdelay $0x3  }
0xc: {  	_ =	strace s3  }
0xd: {  	s3 =	sld [smem:$0x3FFD];
	_ =	sdelay $0x3  }
0xe: {  	_ =	strace s3  }
0xf: {  	_ =	strace $0x8FFFFFFF  }
0x10: {  	s20 =	sld [smem:$0x3FDB];
	_ =	sdelay $0x1  }
0x11: {  	s4 =	simm.s32 $_scs_section_size  }
0x12: {  	s5 =	simm.s32 $_size__tile_overlayer_lowered;
	s6 =	simm.s32 $_tile_overlayer_lowered  }
0x13: {  	s23 =	simm.s32 $0x1BFF;
	s22 =	sshll.u32 s6, $0x1;
	s3 =	sadd.s32 s4, s20  }
0x14: {  	s7 =	simm.s32 $0x0;
	s21 =	sshll.u32 s5, $0x1;
	s5 =	sadd.s32 s22, s3  }
0x15: {  	[timem:s7], [sflag:s23] =	dma.local [hbm:s5], s21  }
0x16: {  	_ =	swait.ge [sflag:s23], s21  }
0x17: {  	s4 =	ssub.s32 $0x0, s21;
	[sflag:s23] =	ssyncset.done $0x0  }
0x18: {  	[sflag:s23] =	ssyncadd.s32 s4;
	_ =	sdelay $0x1  }
0x19: {  	s24 =	simm.s32 $0x1B8B  }
0x1a: {  	_ =	swait.ge [sflag:s24], $0x1  }
0x1b: {  	[sflag:s24] =	ssyncset.done $0x0  }
0x1c: {  	s26 =	simm.s32 $0x1B8E;
	s25 =	sld [smem:$0x3FFE];
	[sflag:s24] =	ssyncadd.s32 $0xFFFFFFFF  }
0x1d: {  	s27 =	simm.s32 $execute0_lowered;
	[smem:$0x3FD2] =	sst s26  }
0x1e: {  	s5 =	sshll.u32 s27, $0x1;
	_ =	strace $0x80000049;
	[dreg:$0x1] =	wrdreg $0xFFFFFFFF  }
0x1f: {  	s28 =	simm.s32 $_size_execute0_lowered;
	s3 =	sadd.s32 s3, s5;
	[dreg:$0x0] =	wrdreg $0x0  }
0x20: {  	s5 =	sshll.u32 s28, $0x1;
	[dreg:$0x2] =	wrdreg s3  }
0x21: {  	[dreg:$0x3] =	wrdreg s5  }
0x22: {  	[dreg:$0x4] =	wrdreg $0xC0  }
0x23: {  	_ =	task [dreg:s7], $0x5FFFF  }
0x24: {  	[dreg:$0x1] =	wrdreg $0xFFFFFFFF  }
0x25: {  	[dreg:$0x0] =	wrdreg $0x60  }
0x26: {  	[dreg:$0x2] =	wrdreg s25  }
0x27: {  	[dreg:$0x3] =	wrdreg s2  }
0x28: {  	[dreg:$0x4] =	wrdreg $0x9  }
0x29: {  	_ =	task.clear_ibuf [dreg:s7], $0x5FFFF;
	_ =	strace $0x90000049  }
0x2a: {  	s29 =	simm.s32 $0x9;
	_ =	strace $0x8000004B  }
0x2b: {  	_ =	swait.ge [sflag:s29], $0x1  }
0x2c: {  	[sflag:s29] =	ssyncadd.s32 $0xFFFFFFFF  }
0x2d: {  	_ =	strace $0x9000004B  }
0x2e: {  	_ =	sfence  }
0x2f: {  	s30 =	sld [smem:$0x0];
	_ =	sdelay $0x2  }
0x30: {  	s31 =	sshll.u32 s1, $0xD;
	s1 =	sshrl.u32 s1, $0x2  }
0x31: {  	s3 =	sand.u32 $0x4000, s31;
	s1 =	sadd.s32 s1, s30  }
0x32: {  	s0 =	sor.u32 s3, s0;
	s1 =	sshll.u32 s1, $0x11  }
0x33: {  	s0 =	sor.u32 s1, s0  }
0x34: {  	s0 =	sadd.s32 $0x8F2B, s0  }
0x35: {  	[sflag:s0] =	ssyncadd.remote.s32 $0x1  }
0x36: {  	_ =	sfence.sel $0xFFFF  }
0x37: {  	[dreg:$0x0] =	wrdreg $0xFFFFFFFF;
	(pc) =	sbr.abs _section_cstart, $3  }
0x38: {  	[dreg:$0x1] =	wrdreg $0xFFFFFFFF  }
0x39: {  	_ =	task.clear_ibuf [dreg:s7], $0x2FFFF;
	_ =	strace $0x9FFFFFFF  }
0x3a: {  	(tm) =	ssettm $0x7FFFFFFF  }
0x3b: {  	_ =	shalt  }
tec
execute0_lowered:
.L_overlay_start_1:
0x0: {  	(tag) =	ssettag $0x1  }
0x1: {  	s0 =	srdreg.scid  }
0x2: {  	s1 =	sshll.u32 s0, $0x4  }
0x3: {  	s4 =	rddreg [dreg:$0x0];
	s0 =	stileid.u32;
	s1 =	sand.u32 $0x10, s1  }
0x4: {  	s2 =	rddreg [dreg:$0x1];
	s7 =	simm.s32 $0x1;
	s1 =	sor.u32 s0, s1  }
0x5: {  	s8 =	simm.s32 $0x2;
	s11 =	simm.s32 $0x0;
	s3 =	sshll.u32 s1, $0x7  }
0x6: {  	s10 =	simm.s32 $0x0;
	s4 =	sadd.s32 $0x800, s4;
	s6 =	ssub.s32 $0xC8000, s3  }
.Ltmp0:
0x7: {  	s1 =	rddreg [dreg:$0x2];
	s5 =	sand.u32 $0xF80, s6;
	(pc) =	sbr.rel .LBB1_1-.Ltmp0, $4  }
0x8: {  	_ =	strace $0x8000004A;
	s9 =	smov.u32 s3;
	p0 =	sne.s32 s5, $0x0  }
0x9: {  	s6 =	sshrl.u32 s6, $0xC;
	s5 =	simm.s32 $0x1;
	s7 =	simm.s32 @!p0 $0x0  }
0xa: {  	[sflag:s5] =	ssyncpa.u1 $0x0;
	p0 =	por $0x0, $0x0;
	s6 =	sadd.s32 s7, s6  }
0xb: {  	[sflag:s8] =	ssyncpa.u1 $0x0;
	s8 =	simm.s32 $0x640000;
	s7 =	sadd.s32 $0x1, s6  }
.LBB1_4:
0xc: {  	s14 =	sshll.u32 s11, $0x3  }
0xd: {  	s30 =	sand.u32 $0x7F, s11;
	s15 =	sand.u32 $0xFFFFFC00, s14  }
0xe: {  	s11 =	sor.u32 s30, s15  }
0xf: {  	s15 =	smulhi.u32 $0x51EB851F, s11  }
0x10: {  	s14 =	smulhi.u32 $0x51EB851F, s14  }
0x11: {  	s15 =	sshrl.u32 s15, $0x12  }
0x12: {  	s14 =	sshrl.u32 s14, $0x12;
	s15 =	smul.u32 $0xC8000, s15  }
0x13: {  	s14 =	sand.u32 $0x3F, s14  }
0x14: {  	s14 =	smul.u32 $0x19000, s14;
	s11 =	ssub.s32 s11, s15  }
0x15: {  	[tilespmem:s13+$0x810 ss:$0x81] =	vst.msk $0xffff, v2;
	s15 =	sand.u32 $0x7, s11  }
0x16: {  	[tilespmem:s13+$0x1020 ss:$0x81] =	vst.msk $0xffff, v0;
	s14 =	sadd.s32 s2, s14;
	s11 =	sshrl.u32 s11, $0x3;
	s15 =	sshll.u32 s15, $0x12  }
0x17: {  	[tilespmem:s13+$0x0 ss:$0x81] =	vst.msk $0xffff, v1;
	s11 =	sadd.s32 s11, s14;
	s31 =	sor.u32 $0x400, s15  }
0x18: {  	[hbm4b:s11+s31] =	stream.strided.scatter [tilespmem:s12], [sflag:$0x2], $0x2000, s8, s31, $0x20;
	[tilespmem:$0x8080] =	vst v63  }
.LBB1_5:
0x19: {  	s13 =	sadd.s32 $0x1000, s9  }
0x1a: {  	p2 =	sgt.s32 s13, $0xC7FFF  }
0x1b: {  	s13 =	smov.u32 @p2 s3;
	p2 =	sne.s32 s10, s7  }
.Ltmp1:
0x1c: {  	p1 =	slt.u32 s10, $0x2;
	(pc) =	sbr.rel @!p2 .LBB1_6-.Ltmp1, $4  }
0x1d: {  	s12 =	simm.s32 @!p1 $0x2  }
0x1e: {  	s14 =	sadd.s32 $0x1, s10;
	_ =	swait.ge @!p1 [sflag:s12], $0x2000  }
0x1f: {  	s11 =	smov.u32 s9;
	p0 =	por !p0, !p0;
	[sflag:s12] =	ssyncset.done @!p1 $0x0  }
0x20: {  	s10 =	smov.u32 s14;
	s9 =	smov.u32 s13;
	[sflag:s12] =	ssyncadd.s32 @!p1 $0xFFFFE000  }
.LBB1_1:
0x21: {  	p1 =	sge.u32 s10, s6  }
0x22: {  	s12 =	sand.u32 @!p1 $0x1FFFFFF, s9  }
0x23: {  	s13 =	smulhi.u32 @!p1 $0x147AE15, s12;
	_ =	sdelay $0x1  }
0x24: {  	s13 =	sshrl.u32 @!p1 s13, $0xC  }
0x25: {  	s13 =	smul.u32 @!p1 $0xC8000, s13;
	_ =	sdelay $0x1  }
0x26: {  	s31 =	sadd.s32 $0xFFFFFFFF, s10;
	s14 =	sxor.u32 @!p1 $0xFFFFFFFF, s10;
	s12 =	ssub.s32 @!p1 s12, s13  }
0x27: {  	s15 =	simm.s32 @!p1 $0x80;
	s14 =	sshll.u32 @!p1 s14, $0xD;
	s12 =	sshll.u32 @!p1 s12, $0x4  }
0x28: {  	s13 =	sand.u32 @!p1 $0x2000, s14;
	s14 =	simm.s32 @!p1 $0x40;
	s12 =	sadd.s32 @!p1 s4, s12  }
0x29: {  	[tilespmem:s13], [sflag:$0x1] =	stream.strided.gather @!p1 [hbm4b:s12+s14], $0x2000, s15, s14, $0x38;
	[tilespmem:$0x8080] =	vst v63  }
0x2a: {  	p1 =	sge.u32 s31, s6  }
.Ltmp2:
0x2b: {  	_ = 	snop;
	(pc) =	sbr.rel @p1 .LBB1_5-.Ltmp2, $1  }
0x2c: {  	_ =	sdelay $0x3  }
0x2d: {  	s12 =	simm.s32 $0x1  }
0x2e: {  	_ =	swait.ge [sflag:s5], $0x2000;
	s12 =	simm.s32 @!p0 $0x0  }
0x2f: {  	[sflag:s5] =	ssyncset.done $0x0;
	s13 =	sshll.u32 s12, $0xD  }
0x30: {  	[sflag:s5] =	ssyncadd.s32 $0xFFFFE000;
	s16 =	sor.u32 $0x20, s13  }
0x31: {  	s12 =	smul.u32 $0x8100, s12;
	v3 =	vld [tilespmem:s16+$0x10]  }
0x32: {  	s30 =	sand.u32 $0x1, s10;
	v2 =	vld [tilespmem:s16+$0xFFFFFFF0]  }
0x33: {  	s13 =	smul.u32 $0x8100, s30;
	s12 =	sshrl.u32 s12, $0x2;
	v0 =	vld [tilespmem:s16+$0x0]  }
0x34: {  	v1 =	vld [tilespmem:s16+$0xFFFFFFE0];
	s14 =	sor.u32 $0x4000, s12  }
0x35: {  	s31 =	sshrl.u32 s13, $0x2;
	s13 =	sadd.s32 $0x0, s14  }
0x36: {  	s15 =	simm.s32 $0x4;
	s16 =	sadd.s32 $0x40, s16;
	s12 =	sor.u32 $0x4000, s31;
	[tilespmem:s13+$0x1830 ss:$0x81] =	vst.msk $0xffff, v3  }
.LBB1_3:
0x37: {  	v3 =	vld [tilespmem:s16+$0x10];
	p1 =	sne.s32 s15, $0x1FC;
	[tilespmem:s13+$0x810 ss:$0x81] =	vst.msk $0xffff, v2;
	s17 =	smov.u32 s15;
	s15 =	sadd.s32 $0x4, s15  }
.Ltmp3:
0x38: {  	v2 =	vld [tilespmem:s16+$0xFFFFFFF0];
	[tilespmem:s13+$0x1020 ss:$0x81] =	vst.msk $0xffff, v0;
	(pc) =	sbr.rel @p1 .LBB1_3-.Ltmp3, $4  }
0x39: {  	v0 =	vld [tilespmem:s16+$0x0];
	[tilespmem:s13+$0x0 ss:$0x81] =	vst.msk $0xffff, v1  }
0x3a: {  	s13 =	sshra.s32 s17, $0x2;
	v1 =	vld [tilespmem:s16+$0xFFFFFFE0]  }
0x3b: {  	s13 =	sadd.s32 s13, s14  }
0x3c: {  	s16 =	sadd.s32 $0x40, s16;
	[tilespmem:s13+$0x1830 ss:$0x81] =	vst.msk $0xffff, v3  }
.Ltmp4:
0x3d: {  	_ = 	snop;
	(pc) =	sbr.rel .LBB1_4-.Ltmp4, $1  }
0x3e: {  	_ =	sdelay $0x3  }
.LBB1_6:
0x3f: {  	_ =	sfence.sel $0x180000  }
0x40: {  	s2 =	simm.s32 $0x1;
	[bflag:$0x0] =	sbarrier.arrive $0xFFFF  }
0x41: {  	s31 =	simm.s32 $0x2;
	[sflag:s2] =	ssyncpa.u1 $0x1  }
0x42: {  	[sflag:s31] =	ssyncpa.u1 $0x1  }
0x43: {  	p0 =	sne.s32 s0, $0x0;
	_ =	strace $0x9000004A  }
0x44: {  	s0 =	sadd.s32 @!p0 $0x100000, s1;
	[bflag:$0x2] =	sbarrier.arrive $0xFFFF  }
0x45: {  	[sflag:s0] =	ssyncadd.tile.s32 @!p0 $0x1;
	_ =	shalt  }
.Lfunc_end1:
_tile_overlayer_lowered:
.L_overlay_start_2:
0x46: {  	(tag) =	ssettag $0x2  }
0x47: {  	s0 =	rddreg [dreg:$0x0];
	s2 =	stileid.u32  }
0x48: {  	s1 =	rddreg [dreg:$0x1];
	p0 =	sne.s32 s2, $0x0  }
0x49: {  	s3 =	rddreg [dreg:$0x2];
	[bflag:$0x3] =	sbarrier.arrive $0xFFFF;
	s2 =	simm.s32 @!p0 $0x1C01  }
0x4a: {  	[timem:s3], [sflag:s2] =	dma.local @!p0 [hbm:s0], s1  }
0x4b: {  	s0 =	simm.s32 @!p0 $0x1  }
0x4c: {  	_ =	swait.ge @!p0 [sflag:s0], s1  }
0x4d: {  	s1 =	ssub.s32 @!p0 $0x0, s1;
	[sflag:s0] =	ssyncset.done @!p0 $0x0  }
0x4e: {  	[sflag:s0] =	ssyncadd.s32 @!p0 s1  }
0x4f: {  	[bflag:$0x3] =	sbarrier.arrive $0xFFFF  }
0x50: {  	_ =	shalt  }

</sc_bundles>
